<compile_context>
chip_gen: v7x
topology: tpu7x:2x2x1
jax: 0.10.2.dev20260603
libtpu: 0.0.44.dev20260713+nightly
codegen_flags: <defaults>
</compile_context>

<pallas_src>
import functools

import jax
import jax.numpy as jnp
from jax import lax
from jax.experimental import pallas as pl
from jax.experimental.pallas import tpu as pltpu
from jax.experimental.pallas import tpu_sc as plsc

_N = 9216
_B = 16
_S = 576
_D = 64
_K = 1024
_COMMIT = 0.25

_NW = 32
_RPW = _N // _NW
_CH = 48
_NCH = _RPW // _CH
_L = 16


def _tc_body(xt_ref, wt_ref, qt_ref, loss_ref, perp_ref, idx_ref,
             counts_ref, sse_ref, w2_ref, iota_ref):
    i = pl.program_id(0)
    xt = xt_ref[...].reshape(_D, _S)
    wt = wt_ref[...]

    @pl.when(i == 0)
    def _():
        w2_ref[...] = jnp.sum(wt * wt, axis=0, keepdims=True)
        iota_ref[...] = lax.broadcasted_iota(
            jnp.int32, (_S, _K), 1).astype(jnp.float32)

    x2 = jnp.sum(xt * xt, axis=0, keepdims=True)
    x2c = x2.reshape(_S, 1)
    m2 = lax.dot_general(xt * (-2.0), wt, (((0,), (0,)), ((), ())),
                         preferred_element_type=jnp.float32)
    dist = (x2c + w2_ref[...]) + m2

    dmin = jnp.min(dist, axis=1, keepdims=True)
    iota = iota_ref[...]
    idx = jnp.min(jnp.where(dist == dmin, iota, float(_K)), axis=1,
                  keepdims=True)

    idx_ref[...] = idx.reshape(1, 1, _S).astype(jnp.int32)

    onehot = (iota == idx).astype(jnp.float32)
    qt = lax.dot_general(wt, onehot, (((1,), (1,)), ((), ())),
                         preferred_element_type=jnp.float32)
    qt_ref[...] = (xt + (qt - xt)).reshape(1, _D, _S)

    part = jnp.sum((qt - xt) * (qt - xt))
    csum = jnp.sum(onehot, axis=0, keepdims=True)

    @pl.when(i == 0)
    def _():
        sse_ref[0] = part
        counts_ref[...] = csum

    @pl.when(i > 0)
    def _():
        sse_ref[0] += part
        counts_ref[...] += csum

    @pl.when(i == _B - 1)
    def _():
        mse = sse_ref[0] / float(_N * _D)
        loss_ref[0, 0] = mse + _COMMIT * mse
        avg = counts_ref[...] / float(_N)
        ent = jnp.sum(avg * jnp.log(avg + 1e-10))
        perp_ref[0, 0] = jnp.exp(-ent)


_sc_mesh = plsc.VectorSubcoreMesh(core_axis_name="c", subcore_axis_name="s")


@functools.partial(
    pl.kernel,
    out_type=jax.ShapeDtypeStruct((_N, _K), jnp.float32),
    mesh=_sc_mesh,
    compiler_params=pltpu.CompilerParams(needs_layout_passes=False),
    scratch_types=[
        pltpu.VMEM((_RPW,), jnp.int32),
        pltpu.VMEM((_CH, _K), jnp.float32),
    ],
)
def _sc_onehot(idx_hbm, enc_hbm, idx_v, buf):
    wid = lax.axis_index("s") * 2 + lax.axis_index("c")
    base = wid * _RPW
    pltpu.sync_copy(idx_hbm.at[pl.ds(base, _RPW)], idx_v)

    zeros16 = jnp.zeros((_L,), jnp.float32)
    ones16 = jnp.full((_L,), 1.0, jnp.float32)
    lanes = lax.iota(jnp.int32, _L)

    def _zero_row(r, carry):
        for c16 in range(_K // _L):
            buf[r, pl.ds(c16 * _L, _L)] = zeros16
        return carry

    lax.fori_loop(0, _CH, _zero_row, 0)

    for g in range(_NCH):
        for gp in range(_CH // _L):
            off = g * _CH + gp * _L
            cols = idx_v[pl.ds(off, _L)]
            rows = lanes + (gp * _L)
            plsc.store_scatter(buf, [rows, cols], ones16)
        pltpu.sync_copy(buf, enc_hbm.at[pl.ds(base + g * _CH, _CH)])
        for gp in range(_CH // _L):
            off = g * _CH + gp * _L
            cols = idx_v[pl.ds(off, _L)]
            rows = lanes + (gp * _L)
            plsc.store_scatter(buf, [rows, cols], zeros16)


def kernel(inputs, W):
    xt = jnp.transpose(inputs, (0, 2, 1))
    wt = W.T
    qt, loss, perp, idx3 = pl.pallas_call(
        _tc_body,
        grid=(_B,),
        in_specs=[
            pl.BlockSpec((1, _D, _S), lambda i: (i, 0, 0)),
            pl.BlockSpec((_D, _K), lambda i: (0, 0)),
        ],
        out_specs=[
            pl.BlockSpec((1, _D, _S), lambda i: (i, 0, 0)),
            pl.BlockSpec(memory_space=pltpu.SMEM),
            pl.BlockSpec(memory_space=pltpu.SMEM),
            pl.BlockSpec((1, 1, _S), lambda i: (i, 0, 0)),
        ],
        out_shape=[
            jax.ShapeDtypeStruct((_B, _D, _S), jnp.float32),
            jax.ShapeDtypeStruct((1, 1), jnp.float32),
            jax.ShapeDtypeStruct((1, 1), jnp.float32),
            jax.ShapeDtypeStruct((_B, 1, _S), jnp.int32),
        ],
        scratch_shapes=[
            pltpu.VMEM((1, _K), jnp.float32),
            pltpu.SMEM((1,), jnp.float32),
            pltpu.VMEM((1, _K), jnp.float32),
            pltpu.VMEM((_S, _K), jnp.float32),
        ],
    )(xt, wt)
    enc = _sc_onehot(idx3.reshape(_N))
    q = jnp.transpose(qt, (0, 2, 1))
    return (loss[0, 0], q, perp[0, 0], enc)

# --- scband reference (transcript-rebuilt; emitter-appended) ---
"""Pipeline reference for scband-vq-gae-21320217657626 (READ-ONLY COPY).

The authoritative reference and input builder live on the scoring server;
editing this copy changes nothing except your own understanding.
"""

import jax, jax.numpy as jnp
import numpy as np

NUM_EMBEDDINGS = 1024
EMBEDDING_DIM = 64
COMMITMENT_COST = 0.25


def setup_inputs(seed: int = 0) -> dict:
    key = jax.random.key(seed)
    k1, k2 = jax.random.split(key)
    inputs = jax.random.normal(k1, (16, 576, EMBEDDING_DIM), dtype=jnp.float32)
    # embedding.weight.data.uniform_(-1/num_embeddings, 1/num_embeddings)
    W = jax.random.uniform(k2, (NUM_EMBEDDINGS, EMBEDDING_DIM), dtype=jnp.float32,
                           minval=-1.0 / NUM_EMBEDDINGS, maxval=1.0 / NUM_EMBEDDINGS)
    return {"inputs": inputs, "W": W}


def reference(inputs, W):
    input_shape = inputs.shape
    flat_input = inputs.reshape(-1, EMBEDDING_DIM)
    # pairwise squared distances: ||x||^2 + ||e||^2 - 2 x e^T
    distances = (jnp.sum(flat_input ** 2, axis=1, keepdims=True)
                 + jnp.sum(W ** 2, axis=1)
                 - 2.0 * jnp.matmul(flat_input, W.T))
    encoding_indices = jnp.argmin(distances, axis=1)
    n = flat_input.shape[0]
    # scatter one-hot (matches torch scatter_ into zeros)
    encodings = jnp.zeros((n, NUM_EMBEDDINGS), dtype=jnp.float32).at[
        jnp.arange(n), encoding_indices].set(1.0)
    quantized = jnp.matmul(encodings, W).reshape(input_shape)
    e_latent_loss = jnp.mean((jax.lax.stop_gradient(quantized) - inputs) ** 2)
    q_latent_loss = jnp.mean((quantized - jax.lax.stop_gradient(inputs)) ** 2)
    loss = q_latent_loss + COMMITMENT_COST * e_latent_loss
    quantized_st = inputs + jax.lax.stop_gradient(quantized - inputs)
    avg_probs = jnp.mean(encodings, axis=0)
    perplexity = jnp.exp(-jnp.sum(avg_probs * jnp.log(avg_probs + 1e-10)))
    return (loss, quantized_st, perplexity, encodings)

if __name__ == "__main__":
    import jax
    _d = setup_inputs()
    print(jax.jit(kernel)(*tuple(_d.values())))

</pallas_src>

<mosaic_0001>
#map = affine_map<(d0, d1) -> (0)>
#map1 = affine_map<(d0, d1) -> (0, 0)>
module attributes {stable_mosaic.version = 14 : i64} {
  func.func @_sc_onehot(%arg0: i32, %arg1: i32, %arg2: memref<9216xi32, #tpu.memory_space<hbm>>, %arg3: memref<9216x1024xf32, #tpu.memory_space<hbm>>, %arg4: memref<288xi32, #tpu.memory_space<vmem>>, %arg5: memref<48x1024xf32, #tpu.memory_space<vmem>>) attributes {dimension_semantics = [#tpu.dimension_semantics<core_parallel>, #tpu.dimension_semantics<subcore_parallel>], iteration_bounds = array<i64: 2, 16>, scalar_prefetch = 0 : i64, scratch_operands = 2 : i64, tpu.core_type = #tpu.core_type<sc_vector_subcore>, window_params = [{transform_indices = #map}, {transform_indices = #map1}]} {
    %mul3A = arith.constant 2 : i32
    %mul3A_0 = arith.muli %arg1, %mul3A : i32
    %add3A = arith.addi %mul3A_0, %arg0 : i32
    %mul3A_1 = arith.constant 288 : i32
    %mul3A_2 = arith.muli %add3A, %mul3A_1 : i32
    "tpu.region"() ({
      %run_scoped3A = tpu.sem_alloc : memref<!tpu.dma_semaphore, #tpu.memory_space<semaphore_mem>>
      %dma_start3A = tpu.memref_slice %arg2[%mul3A_2] : memref<9216xi32, #tpu.memory_space<hbm>> -> memref<288xi32, #tpu.memory_space<hbm>>
      %dma_start3A_202 = tpu.memref_slice %arg2[%mul3A_2] : memref<9216xi32, #tpu.memory_space<hbm>> -> memref<288xi32, #tpu.memory_space<hbm>>
      tpu.enqueue_dma source(%dma_start3A_202 : memref<288xi32, #tpu.memory_space<hbm>>) target(%arg4 : memref<288xi32, #tpu.memory_space<vmem>>) target_semaphore(%run_scoped3A : memref<!tpu.dma_semaphore, #tpu.memory_space<semaphore_mem>>)
      %dma_wait3A = tpu.memref_slice %arg2[%mul3A_2] : memref<9216xi32, #tpu.memory_space<hbm>> -> memref<288xi32, #tpu.memory_space<hbm>>
      %dma_wait3A_203 = tpu.memref_slice %arg2[%mul3A_2] : memref<9216xi32, #tpu.memory_space<hbm>> -> memref<288xi32, #tpu.memory_space<hbm>>
      tpu.wait_dma2 semaphore(%run_scoped3A : memref<!tpu.dma_semaphore, #tpu.memory_space<semaphore_mem>>) src(%dma_wait3A_203 : memref<288xi32, #tpu.memory_space<hbm>>) dst(%arg4 : memref<288xi32, #tpu.memory_space<vmem>>)
      tpu.yield
    }) : () -> ()
    %broadcast_in_dim3A = arith.constant 0.000000e+00 : f32
    %broadcast_in_dim3A_3 = vector.broadcast %broadcast_in_dim3A : f32 to vector<16xf32>
    %broadcast_in_dim3A_4 = arith.constant 1.000000e+00 : f32
    %broadcast_in_dim3A_5 = vector.broadcast %broadcast_in_dim3A_4 : f32 to vector<16xf32>
    %iota3A = tpu.iota {dimensions = array<i32: 0>} : vector<16xi32>
    %scan3A = arith.constant 0 : i32
    %scan3A_6 = arith.constant 0 : i32
    %scan3A_7 = arith.constant 48 : i32
    %scan3A_8 = arith.addi %scan3A_6, %scan3A_7 : i32
    %scan3A_9 = arith.constant 1 : i32
    scf.for %scan3A_202 = %scan3A_6 to %scan3A_8 step %scan3A_9  : i32 {
      %swap3A = arith.index_cast %scan3A_202 : i32 to index
      %swap3A_203 = arith.constant 0 : index
      %swap3A_204 = tpu.vector_load %arg5[%swap3A, %swap3A_203] {strides = array<i32>} : memref<48x1024xf32, #tpu.memory_space<vmem>>, vector<16xf32>,
      tpu.vector_store %arg5[%swap3A, %swap3A_203], %broadcast_in_dim3A_3 {strides = array<i32>} : memref<48x1024xf32, #tpu.memory_space<vmem>>, vector<16xf32>,
      %swap3A_205 = arith.index_cast %scan3A_202 : i32 to index
      %swap3A_206 = arith.constant 16 : index
      %swap3A_207 = tpu.vector_load %arg5[%swap3A_205, %swap3A_206] {strides = array<i32>} : memref<48x1024xf32, #tpu.memory_space<vmem>>, vector<16xf32>,
      tpu.vector_store %arg5[%swap3A_205, %swap3A_206], %broadcast_in_dim3A_3 {strides = array<i32>} : memref<48x1024xf32, #tpu.memory_space<vmem>>, vector<16xf32>,
      %swap3A_208 = arith.index_cast %scan3A_202 : i32 to index
      %swap3A_209 = arith.constant 32 : index
      %swap3A_210 = tpu.vector_load %arg5[%swap3A_208, %swap3A_209] {strides = array<i32>} : memref<48x1024xf32, #tpu.memory_space<vmem>>, vector<16xf32>,
      tpu.vector_store %arg5[%swap3A_208, %swap3A_209], %broadcast_in_dim3A_3 {strides = array<i32>} : memref<48x1024xf32, #tpu.memory_space<vmem>>, vector<16xf32>,
      %swap3A_211 = arith.index_cast %scan3A_202 : i32 to index
      %swap3A_212 = arith.constant 48 : index
      %swap3A_213 = tpu.vector_load %arg5[%swap3A_211, %swap3A_212] {strides = array<i32>} : memref<48x1024xf32, #tpu.memory_space<vmem>>, vector<16xf32>,
      tpu.vector_store %arg5[%swap3A_211, %swap3A_212], %broadcast_in_dim3A_3 {strides = array<i32>} : memref<48x1024xf32, #tpu.memory_space<vmem>>, vector<16xf32>,
      %swap3A_214 = arith.index_cast %scan3A_202 : i32 to index
      %swap3A_215 = arith.constant 64 : index
      %swap3A_216 = tpu.vector_load %arg5[%swap3A_214, %swap3A_215] {strides = array<i32>} : memref<48x1024xf32, #tpu.memory_space<vmem>>, vector<16xf32>,
      tpu.vector_store %arg5[%swap3A_214, %swap3A_215], %broadcast_in_dim3A_3 {strides = array<i32>} : memref<48x1024xf32, #tpu.memory_space<vmem>>, vector<16xf32>,
      %swap3A_217 = arith.index_cast %scan3A_202 : i32 to index
      %swap3A_218 = arith.constant 80 : index
      %swap3A_219 = tpu.vector_load %arg5[%swap3A_217, %swap3A_218] {strides = array<i32>} : memref<48x1024xf32, #tpu.memory_space<vmem>>, vector<16xf32>,
      tpu.vector_store %arg5[%swap3A_217, %swap3A_218], %broadcast_in_dim3A_3 {strides = array<i32>} : memref<48x1024xf32, #tpu.memory_space<vmem>>, vector<16xf32>,
      %swap3A_220 = arith.index_cast %scan3A_202 : i32 to index
      %swap3A_221 = arith.constant 96 : index
      %swap3A_222 = tpu.vector_load %arg5[%swap3A_220, %swap3A_221] {strides = array<i32>} : memref<48x1024xf32, #tpu.memory_space<vmem>>, vector<16xf32>,
      tpu.vector_store %arg5[%swap3A_220, %swap3A_221], %broadcast_in_dim3A_3 {strides = array<i32>} : memref<48x1024xf32, #tpu.memory_space<vmem>>, vector<16xf32>,
      %swap3A_223 = arith.index_cast %scan3A_202 : i32 to index
      %swap3A_224 = arith.constant 112 : index
      %swap3A_225 = tpu.vector_load %arg5[%swap3A_223, %swap3A_224] {strides = array<i32>} : memref<48x1024xf32, #tpu.memory_space<vmem>>, vector<16xf32>,
      tpu.vector_store %arg5[%swap3A_223, %swap3A_224], %broadcast_in_dim3A_3 {strides = array<i32>} : memref<48x1024xf32, #tpu.memory_space<vmem>>, vector<16xf32>,
      %swap3A_226 = arith.index_cast %scan3A_202 : i32 to index
      %swap3A_227 = arith.constant 128 : index
      %swap3A_228 = tpu.vector_load %arg5[%swap3A_226, %swap3A_227] {strides = array<i32>} : memref<48x1024xf32, #tpu.memory_space<vmem>>, vector<16xf32>,
      tpu.vector_store %arg5[%swap3A_226, %swap3A_227], %broadcast_in_dim3A_3 {strides = array<i32>} : memref<48x1024xf32, #tpu.memory_space<vmem>>, vector<16xf32>,
      %swap3A_229 = arith.index_cast %scan3A_202 : i32 to index
      %swap3A_230 = arith.constant 144 : index
      %swap3A_231 = tpu.vector_load %arg5[%swap3A_229, %swap3A_230] {strides = array<i32>} : memref<48x1024xf32, #tpu.memory_space<vmem>>, vector<16xf32>,
      tpu.vector_store %arg5[%swap3A_229, %swap3A_230], %broadcast_in_dim3A_3 {strides = array<i32>} : memref<48x1024xf32, #tpu.memory_space<vmem>>, vector<16xf32>,
      %swap3A_232 = arith.index_cast %scan3A_202 : i32 to index
      %swap3A_233 = arith.constant 160 : index
      %swap3A_234 = tpu.vector_load %arg5[%swap3A_232, %swap3A_233] {strides = array<i32>} : memref<48x1024xf32, #tpu.memory_space<vmem>>, vector<16xf32>,
      tpu.vector_store %arg5[%swap3A_232, %swap3A_233], %broadcast_in_dim3A_3 {strides = array<i32>} : memref<48x1024xf32, #tpu.memory_space<vmem>>, vector<16xf32>,
      %swap3A_235 = arith.index_cast %scan3A_202 : i32 to index
      %swap3A_236 = arith.constant 176 : index
      %swap3A_237 = tpu.vector_load %arg5[%swap3A_235, %swap3A_236] {strides = array<i32>} : memref<48x1024xf32, #tpu.memory_space<vmem>>, vector<16xf32>,
      tpu.vector_store %arg5[%swap3A_235, %swap3A_236], %broadcast_in_dim3A_3 {strides = array<i32>} : memref<48x1024xf32, #tpu.memory_space<vmem>>, vector<16xf32>,
      %swap3A_238 = arith.index_cast %scan3A_202 : i32 to index
      %swap3A_239 = arith.constant 192 : index
      %swap3A_240 = tpu.vector_load %arg5[%swap3A_238, %swap3A_239] {strides = array<i32>} : memref<48x1024xf32, #tpu.memory_space<vmem>>, vector<16xf32>,
      tpu.vector_store %arg5[%swap3A_238, %swap3A_239], %broadcast_in_dim3A_3 {strides = array<i32>} : memref<48x1024xf32, #tpu.memory_space<vmem>>, vector<16xf32>,
      %swap3A_241 = arith.index_cast %scan3A_202 : i32 to index
      %swap3A_242 = arith.constant 208 : index
      %swap3A_243 = tpu.vector_load %arg5[%swap3A_241, %swap3A_242] {strides = array<i32>} : memref<48x1024xf32, #tpu.memory_space<vmem>>, vector<16xf32>,
      tpu.vector_store %arg5[%swap3A_241, %swap3A_242], %broadcast_in_dim3A_3 {strides = array<i32>} : memref<48x1024xf32, #tpu.memory_space<vmem>>, vector<16xf32>,
      %swap3A_244 = arith.index_cast %scan3A_202 : i32 to index
      %swap3A_245 = arith.constant 224 : index
      %swap3A_246 = tpu.vector_load %arg5[%swap3A_244, %swap3A_245] {strides = array<i32>} : memref<48x1024xf32, #tpu.memory_space<vmem>>, vector<16xf32>,
      tpu.vector_store %arg5[%swap3A_244, %swap3A_245], %broadcast_in_dim3A_3 {strides = array<i32>} : memref<48x1024xf32, #tpu.memory_space<vmem>>, vector<16xf32>,
      %swap3A_247 = arith.index_cast %scan3A_202 : i32 to index
      %swap3A_248 = arith.constant 240 : index
      %swap3A_249 = tpu.vector_load %arg5[%swap3A_247, %swap3A_248] {strides = array<i32>} : memref<48x1024xf32, #tpu.memory_space<vmem>>, vector<16xf32>,
      tpu.vector_store %arg5[%swap3A_247, %swap3A_248], %broadcast_in_dim3A_3 {strides = array<i32>} : memref<48x1024xf32, #tpu.memory_space<vmem>>, vector<16xf32>,
      %swap3A_250 = arith.index_cast %scan3A_202 : i32 to index
      %swap3A_251 = arith.constant 256 : index
      %swap3A_252 = tpu.vector_load %arg5[%swap3A_250, %swap3A_251] {strides = array<i32>} : memref<48x1024xf32, #tpu.memory_space<vmem>>, vector<16xf32>,
      tpu.vector_store %arg5[%swap3A_250, %swap3A_251], %broadcast_in_dim3A_3 {strides = array<i32>} : memref<48x1024xf32, #tpu.memory_space<vmem>>, vector<16xf32>,
      %swap3A_253 = arith.index_cast %scan3A_202 : i32 to index
      %swap3A_254 = arith.constant 272 : index
      %swap3A_255 = tpu.vector_load %arg5[%swap3A_253, %swap3A_254] {strides = array<i32>} : memref<48x1024xf32, #tpu.memory_space<vmem>>, vector<16xf32>,
      tpu.vector_store %arg5[%swap3A_253, %swap3A_254], %broadcast_in_dim3A_3 {strides = array<i32>} : memref<48x1024xf32, #tpu.memory_space<vmem>>, vector<16xf32>,
      %swap3A_256 = arith.index_cast %scan3A_202 : i32 to index
      %swap3A_257 = arith.constant 288 : index
      %swap3A_258 = tpu.vector_load %arg5[%swap3A_256, %swap3A_257] {strides = array<i32>} : memref<48x1024xf32, #tpu.memory_space<vmem>>, vector<16xf32>,
      tpu.vector_store %arg5[%swap3A_256, %swap3A_257], %broadcast_in_dim3A_3 {strides = array<i32>} : memref<48x1024xf32, #tpu.memory_space<vmem>>, vector<16xf32>,
      %swap3A_259 = arith.index_cast %scan3A_202 : i32 to index
      %swap3A_260 = arith.constant 304 : index
      %swap3A_261 = tpu.vector_load %arg5[%swap3A_259, %swap3A_260] {strides = array<i32>} : memref<48x1024xf32, #tpu.memory_space<vmem>>, vector<16xf32>,
      tpu.vector_store %arg5[%swap3A_259, %swap3A_260], %broadcast_in_dim3A_3 {strides = array<i32>} : memref<48x1024xf32, #tpu.memory_space<vmem>>, vector<16xf32>,
      %swap3A_262 = arith.index_cast %scan3A_202 : i32 to index
      %swap3A_263 = arith.constant 320 : index
      %swap3A_264 = tpu.vector_load %arg5[%swap3A_262, %swap3A_263] {strides = array<i32>} : memref<48x1024xf32, #tpu.memory_space<vmem>>, vector<16xf32>,
      tpu.vector_store %arg5[%swap3A_262, %swap3A_263], %broadcast_in_dim3A_3 {strides = array<i32>} : memref<48x1024xf32, #tpu.memory_space<vmem>>, vector<16xf32>,
      %swap3A_265 = arith.index_cast %scan3A_202 : i32 to index
      %swap3A_266 = arith.constant 336 : index
      %swap3A_267 = tpu.vector_load %arg5[%swap3A_265, %swap3A_266] {strides = array<i32>} : memref<48x1024xf32, #tpu.memory_space<vmem>>, vector<16xf32>,
      tpu.vector_store %arg5[%swap3A_265, %swap3A_266], %broadcast_in_dim3A_3 {strides = array<i32>} : memref<48x1024xf32, #tpu.memory_space<vmem>>, vector<16xf32>,
      %swap3A_268 = arith.index_cast %scan3A_202 : i32 to index
      %swap3A_269 = arith.constant 352 : index
      %swap3A_270 = tpu.vector_load %arg5[%swap3A_268, %swap3A_269] {strides = array<i32>} : memref<48x1024xf32, #tpu.memory_space<vmem>>, vector<16xf32>,
      tpu.vector_store %arg5[%swap3A_268, %swap3A_269], %broadcast_in_dim3A_3 {strides = array<i32>} : memref<48x1024xf32, #tpu.memory_space<vmem>>, vector<16xf32>,
      %swap3A_271 = arith.index_cast %scan3A_202 : i32 to index
      %swap3A_272 = arith.constant 368 : index
      %swap3A_273 = tpu.vector_load %arg5[%swap3A_271, %swap3A_272] {strides = array<i32>} : memref<48x1024xf32, #tpu.memory_space<vmem>>, vector<16xf32>,
      tpu.vector_store %arg5[%swap3A_271, %swap3A_272], %broadcast_in_dim3A_3 {strides = array<i32>} : memref<48x1024xf32, #tpu.memory_space<vmem>>, vector<16xf32>,
      %swap3A_274 = arith.index_cast %scan3A_202 : i32 to index
      %swap3A_275 = arith.constant 384 : index
      %swap3A_276 = tpu.vector_load %arg5[%swap3A_274, %swap3A_275] {strides = array<i32>} : memref<48x1024xf32, #tpu.memory_space<vmem>>, vector<16xf32>,
      tpu.vector_store %arg5[%swap3A_274, %swap3A_275], %broadcast_in_dim3A_3 {strides = array<i32>} : memref<48x1024xf32, #tpu.memory_space<vmem>>, vector<16xf32>,
      %swap3A_277 = arith.index_cast %scan3A_202 : i32 to index
      %swap3A_278 = arith.constant 400 : index
      %swap3A_279 = tpu.vector_load %arg5[%swap3A_277, %swap3A_278] {strides = array<i32>} : memref<48x1024xf32, #tpu.memory_space<vmem>>, vector<16xf32>,
      tpu.vector_store %arg5[%swap3A_277, %swap3A_278], %broadcast_in_dim3A_3 {strides = array<i32>} : memref<48x1024xf32, #tpu.memory_space<vmem>>, vector<16xf32>,
      %swap3A_280 = arith.index_cast %scan3A_202 : i32 to index
      %swap3A_281 = arith.constant 416 : index
      %swap3A_282 = tpu.vector_load %arg5[%swap3A_280, %swap3A_281] {strides = array<i32>} : memref<48x1024xf32, #tpu.memory_space<vmem>>, vector<16xf32>,
      tpu.vector_store %arg5[%swap3A_280, %swap3A_281], %broadcast_in_dim3A_3 {strides = array<i32>} : memref<48x1024xf32, #tpu.memory_space<vmem>>, vector<16xf32>,
      %swap3A_283 = arith.index_cast %scan3A_202 : i32 to index
      %swap3A_284 = arith.constant 432 : index
      %swap3A_285 = tpu.vector_load %arg5[%swap3A_283, %swap3A_284] {strides = array<i32>} : memref<48x1024xf32, #tpu.memory_space<vmem>>, vector<16xf32>,
      tpu.vector_store %arg5[%swap3A_283, %swap3A_284], %broadcast_in_dim3A_3 {strides = array<i32>} : memref<48x1024xf32, #tpu.memory_space<vmem>>, vector<16xf32>,
      %swap3A_286 = arith.index_cast %scan3A_202 : i32 to index
      %swap3A_287 = arith.constant 448 : index
      %swap3A_288 = tpu.vector_load %arg5[%swap3A_286, %swap3A_287] {strides = array<i32>} : memref<48x1024xf32, #tpu.memory_space<vmem>>, vector<16xf32>,
      tpu.vector_store %arg5[%swap3A_286, %swap3A_287], %broadcast_in_dim3A_3 {strides = array<i32>} : memref<48x1024xf32, #tpu.memory_space<vmem>>, vector<16xf32>,
      %swap3A_289 = arith.index_cast %scan3A_202 : i32 to index
      %swap3A_290 = arith.constant 464 : index
      %swap3A_291 = tpu.vector_load %arg5[%swap3A_289, %swap3A_290] {strides = array<i32>} : memref<48x1024xf32, #tpu.memory_space<vmem>>, vector<16xf32>,
      tpu.vector_store %arg5[%swap3A_289, %swap3A_290], %broadcast_in_dim3A_3 {strides = array<i32>} : memref<48x1024xf32, #tpu.memory_space<vmem>>, vector<16xf32>,
      %swap3A_292 = arith.index_cast %scan3A_202 : i32 to index
      %swap3A_293 = arith.constant 480 : index
      %swap3A_294 = tpu.vector_load %arg5[%swap3A_292, %swap3A_293] {strides = array<i32>} : memref<48x1024xf32, #tpu.memory_space<vmem>>, vector<16xf32>,
      tpu.vector_store %arg5[%swap3A_292, %swap3A_293], %broadcast_in_dim3A_3 {strides = array<i32>} : memref<48x1024xf32, #tpu.memory_space<vmem>>, vector<16xf32>,
      %swap3A_295 = arith.index_cast %scan3A_202 : i32 to index
      %swap3A_296 = arith.constant 496 : index
      %swap3A_297 = tpu.vector_load %arg5[%swap3A_295, %swap3A_296] {strides = array<i32>} : memref<48x1024xf32, #tpu.memory_space<vmem>>, vector<16xf32>,
      tpu.vector_store %arg5[%swap3A_295, %swap3A_296], %broadcast_in_dim3A_3 {strides = array<i32>} : memref<48x1024xf32, #tpu.memory_space<vmem>>, vector<16xf32>,
      %swap3A_298 = arith.index_cast %scan3A_202 : i32 to index
      %swap3A_299 = arith.constant 512 : index
      %swap3A_300 = tpu.vector_load %arg5[%swap3A_298, %swap3A_299] {strides = array<i32>} : memref<48x1024xf32, #tpu.memory_space<vmem>>, vector<16xf32>,
      tpu.vector_store %arg5[%swap3A_298, %swap3A_299], %broadcast_in_dim3A_3 {strides = array<i32>} : memref<48x1024xf32, #tpu.memory_space<vmem>>, vector<16xf32>,
      %swap3A_301 = arith.index_cast %scan3A_202 : i32 to index
      %swap3A_302 = arith.constant 528 : index
      %swap3A_303 = tpu.vector_load %arg5[%swap3A_301, %swap3A_302] {strides = array<i32>} : memref<48x1024xf32, #tpu.memory_space<vmem>>, vector<16xf32>,
      tpu.vector_store %arg5[%swap3A_301, %swap3A_302], %broadcast_in_dim3A_3 {strides = array<i32>} : memref<48x1024xf32, #tpu.memory_space<vmem>>, vector<16xf32>,
      %swap3A_304 = arith.index_cast %scan3A_202 : i32 to index
      %swap3A_305 = arith.constant 544 : index
      %swap3A_306 = tpu.vector_load %arg5[%swap3A_304, %swap3A_305] {strides = array<i32>} : memref<48x1024xf32, #tpu.memory_space<vmem>>, vector<16xf32>,
      tpu.vector_store %arg5[%swap3A_304, %swap3A_305], %broadcast_in_dim3A_3 {strides = array<i32>} : memref<48x1024xf32, #tpu.memory_space<vmem>>, vector<16xf32>,
      %swap3A_307 = arith.index_cast %scan3A_202 : i32 to index
      %swap3A_308 = arith.constant 560 : index
      %swap3A_309 = tpu.vector_load %arg5[%swap3A_307, %swap3A_308] {strides = array<i32>} : memref<48x1024xf32, #tpu.memory_space<vmem>>, vector<16xf32>,
      tpu.vector_store %arg5[%swap3A_307, %swap3A_308], %broadcast_in_dim3A_3 {strides = array<i32>} : memref<48x1024xf32, #tpu.memory_space<vmem>>, vector<16xf32>,
      %swap3A_310 = arith.index_cast %scan3A_202 : i32 to index
      %swap3A_311 = arith.constant 576 : index
      %swap3A_312 = tpu.vector_load %arg5[%swap3A_310, %swap3A_311] {strides = array<i32>} : memref<48x1024xf32, #tpu.memory_space<vmem>>, vector<16xf32>,
      tpu.vector_store %arg5[%swap3A_310, %swap3A_311], %broadcast_in_dim3A_3 {strides = array<i32>} : memref<48x1024xf32, #tpu.memory_space<vmem>>, vector<16xf32>,
      %swap3A_313 = arith.index_cast %scan3A_202 : i32 to index
      %swap3A_314 = arith.constant 592 : index
      %swap3A_315 = tpu.vector_load %arg5[%swap3A_313, %swap3A_314] {strides = array<i32>} : memref<48x1024xf32, #tpu.memory_space<vmem>>, vector<16xf32>,
      tpu.vector_store %arg5[%swap3A_313, %swap3A_314], %broadcast_in_dim3A_3 {strides = array<i32>} : memref<48x1024xf32, #tpu.memory_space<vmem>>, vector<16xf32>,
      %swap3A_316 = arith.index_cast %scan3A_202 : i32 to index
      %swap3A_317 = arith.constant 608 : index
      %swap3A_318 = tpu.vector_load %arg5[%swap3A_316, %swap3A_317] {strides = array<i32>} : memref<48x1024xf32, #tpu.memory_space<vmem>>, vector<16xf32>,
      tpu.vector_store %arg5[%swap3A_316, %swap3A_317], %broadcast_in_dim3A_3 {strides = array<i32>} : memref<48x1024xf32, #tpu.memory_space<vmem>>, vector<16xf32>,
      %swap3A_319 = arith.index_cast %scan3A_202 : i32 to index
      %swap3A_320 = arith.constant 624 : index
      %swap3A_321 = tpu.vector_load %arg5[%swap3A_319, %swap3A_320] {strides = array<i32>} : memref<48x1024xf32, #tpu.memory_space<vmem>>, vector<16xf32>,
      tpu.vector_store %arg5[%swap3A_319, %swap3A_320], %broadcast_in_dim3A_3 {strides = array<i32>} : memref<48x1024xf32, #tpu.memory_space<vmem>>, vector<16xf32>,
      %swap3A_322 = arith.index_cast %scan3A_202 : i32 to index
      %swap3A_323 = arith.constant 640 : index
      %swap3A_324 = tpu.vector_load %arg5[%swap3A_322, %swap3A_323] {strides = array<i32>} : memref<48x1024xf32, #tpu.memory_space<vmem>>, vector<16xf32>,
      tpu.vector_store %arg5[%swap3A_322, %swap3A_323], %broadcast_in_dim3A_3 {strides = array<i32>} : memref<48x1024xf32, #tpu.memory_space<vmem>>, vector<16xf32>,
      %swap3A_325 = arith.index_cast %scan3A_202 : i32 to index
      %swap3A_326 = arith.constant 656 : index
      %swap3A_327 = tpu.vector_load %arg5[%swap3A_325, %swap3A_326] {strides = array<i32>} : memref<48x1024xf32, #tpu.memory_space<vmem>>, vector<16xf32>,
      tpu.vector_store %arg5[%swap3A_325, %swap3A_326], %broadcast_in_dim3A_3 {strides = array<i32>} : memref<48x1024xf32, #tpu.memory_space<vmem>>, vector<16xf32>,
      %swap3A_328 = arith.index_cast %scan3A_202 : i32 to index
      %swap3A_329 = arith.constant 672 : index
      %swap3A_330 = tpu.vector_load %arg5[%swap3A_328, %swap3A_329] {strides = array<i32>} : memref<48x1024xf32, #tpu.memory_space<vmem>>, vector<16xf32>,
      tpu.vector_store %arg5[%swap3A_328, %swap3A_329], %broadcast_in_dim3A_3 {strides = array<i32>} : memref<48x1024xf32, #tpu.memory_space<vmem>>, vector<16xf32>,
      %swap3A_331 = arith.index_cast %scan3A_202 : i32 to index
      %swap3A_332 = arith.constant 688 : index
      %swap3A_333 = tpu.vector_load %arg5[%swap3A_331, %swap3A_332] {strides = array<i32>} : memref<48x1024xf32, #tpu.memory_space<vmem>>, vector<16xf32>,
      tpu.vector_store %arg5[%swap3A_331, %swap3A_332], %broadcast_in_dim3A_3 {strides = array<i32>} : memref<48x1024xf32, #tpu.memory_space<vmem>>, vector<16xf32>,
      %swap3A_334 = arith.index_cast %scan3A_202 : i32 to index
      %swap3A_335 = arith.constant 704 : index
      %swap3A_336 = tpu.vector_load %arg5[%swap3A_334, %swap3A_335] {strides = array<i32>} : memref<48x1024xf32, #tpu.memory_space<vmem>>, vector<16xf32>,
      tpu.vector_store %arg5[%swap3A_334, %swap3A_335], %broadcast_in_dim3A_3 {strides = array<i32>} : memref<48x1024xf32, #tpu.memory_space<vmem>>, vector<16xf32>,
      %swap3A_337 = arith.index_cast %scan3A_202 : i32 to index
      %swap3A_338 = arith.constant 720 : index
      %swap3A_339 = tpu.vector_load %arg5[%swap3A_337, %swap3A_338] {strides = array<i32>} : memref<48x1024xf32, #tpu.memory_space<vmem>>, vector<16xf32>,
      tpu.vector_store %arg5[%swap3A_337, %swap3A_338], %broadcast_in_dim3A_3 {strides = array<i32>} : memref<48x1024xf32, #tpu.memory_space<vmem>>, vector<16xf32>,
      %swap3A_340 = arith.index_cast %scan3A_202 : i32 to index
      %swap3A_341 = arith.constant 736 : index
      %swap3A_342 = tpu.vector_load %arg5[%swap3A_340, %swap3A_341] {strides = array<i32>} : memref<48x1024xf32, #tpu.memory_space<vmem>>, vector<16xf32>,
      tpu.vector_store %arg5[%swap3A_340, %swap3A_341], %broadcast_in_dim3A_3 {strides = array<i32>} : memref<48x1024xf32, #tpu.memory_space<vmem>>, vector<16xf32>,
      %swap3A_343 = arith.index_cast %scan3A_202 : i32 to index
      %swap3A_344 = arith.constant 752 : index
      %swap3A_345 = tpu.vector_load %arg5[%swap3A_343, %swap3A_344] {strides = array<i32>} : memref<48x1024xf32, #tpu.memory_space<vmem>>, vector<16xf32>,
      tpu.vector_store %arg5[%swap3A_343, %swap3A_344], %broadcast_in_dim3A_3 {strides = array<i32>} : memref<48x1024xf32, #tpu.memory_space<vmem>>, vector<16xf32>,
      %swap3A_346 = arith.index_cast %scan3A_202 : i32 to index
      %swap3A_347 = arith.constant 768 : index
      %swap3A_348 = tpu.vector_load %arg5[%swap3A_346, %swap3A_347] {strides = array<i32>} : memref<48x1024xf32, #tpu.memory_space<vmem>>, vector<16xf32>,
      tpu.vector_store %arg5[%swap3A_346, %swap3A_347], %broadcast_in_dim3A_3 {strides = array<i32>} : memref<48x1024xf32, #tpu.memory_space<vmem>>, vector<16xf32>,
      %swap3A_349 = arith.index_cast %scan3A_202 : i32 to index
      %swap3A_350 = arith.constant 784 : index
      %swap3A_351 = tpu.vector_load %arg5[%swap3A_349, %swap3A_350] {strides = array<i32>} : memref<48x1024xf32, #tpu.memory_space<vmem>>, vector<16xf32>,
      tpu.vector_store %arg5[%swap3A_349, %swap3A_350], %broadcast_in_dim3A_3 {strides = array<i32>} : memref<48x1024xf32, #tpu.memory_space<vmem>>, vector<16xf32>,
      %swap3A_352 = arith.index_cast %scan3A_202 : i32 to index
      %swap3A_353 = arith.constant 800 : index
      %swap3A_354 = tpu.vector_load %arg5[%swap3A_352, %swap3A_353] {strides = array<i32>} : memref<48x1024xf32, #tpu.memory_space<vmem>>, vector<16xf32>,
      tpu.vector_store %arg5[%swap3A_352, %swap3A_353], %broadcast_in_dim3A_3 {strides = array<i32>} : memref<48x1024xf32, #tpu.memory_space<vmem>>, vector<16xf32>,
      %swap3A_355 = arith.index_cast %scan3A_202 : i32 to index
      %swap3A_356 = arith.constant 816 : index
      %swap3A_357 = tpu.vector_load %arg5[%swap3A_355, %swap3A_356] {strides = array<i32>} : memref<48x1024xf32, #tpu.memory_space<vmem>>, vector<16xf32>,
      tpu.vector_store %arg5[%swap3A_355, %swap3A_356], %broadcast_in_dim3A_3 {strides = array<i32>} : memref<48x1024xf32, #tpu.memory_space<vmem>>, vector<16xf32>,
      %swap3A_358 = arith.index_cast %scan3A_202 : i32 to index
      %swap3A_359 = arith.constant 832 : index
      %swap3A_360 = tpu.vector_load %arg5[%swap3A_358, %swap3A_359] {strides = array<i32>} : memref<48x1024xf32, #tpu.memory_space<vmem>>, vector<16xf32>,
      tpu.vector_store %arg5[%swap3A_358, %swap3A_359], %broadcast_in_dim3A_3 {strides = array<i32>} : memref<48x1024xf32, #tpu.memory_space<vmem>>, vector<16xf32>,
      %swap3A_361 = arith.index_cast %scan3A_202 : i32 to index
      %swap3A_362 = arith.constant 848 : index
      %swap3A_363 = tpu.vector_load %arg5[%swap3A_361, %swap3A_362] {strides = array<i32>} : memref<48x1024xf32, #tpu.memory_space<vmem>>, vector<16xf32>,
      tpu.vector_store %arg5[%swap3A_361, %swap3A_362], %broadcast_in_dim3A_3 {strides = array<i32>} : memref<48x1024xf32, #tpu.memory_space<vmem>>, vector<16xf32>,
      %swap3A_364 = arith.index_cast %scan3A_202 : i32 to index
      %swap3A_365 = arith.constant 864 : index
      %swap3A_366 = tpu.vector_load %arg5[%swap3A_364, %swap3A_365] {strides = array<i32>} : memref<48x1024xf32, #tpu.memory_space<vmem>>, vector<16xf32>,
      tpu.vector_store %arg5[%swap3A_364, %swap3A_365], %broadcast_in_dim3A_3 {strides = array<i32>} : memref<48x1024xf32, #tpu.memory_space<vmem>>, vector<16xf32>,
      %swap3A_367 = arith.index_cast %scan3A_202 : i32 to index
      %swap3A_368 = arith.constant 880 : index
      %swap3A_369 = tpu.vector_load %arg5[%swap3A_367, %swap3A_368] {strides = array<i32>} : memref<48x1024xf32, #tpu.memory_space<vmem>>, vector<16xf32>,
      tpu.vector_store %arg5[%swap3A_367, %swap3A_368], %broadcast_in_dim3A_3 {strides = array<i32>} : memref<48x1024xf32, #tpu.memory_space<vmem>>, vector<16xf32>,
      %swap3A_370 = arith.index_cast %scan3A_202 : i32 to index
      %swap3A_371 = arith.constant 896 : index
      %swap3A_372 = tpu.vector_load %arg5[%swap3A_370, %swap3A_371] {strides = array<i32>} : memref<48x1024xf32, #tpu.memory_space<vmem>>, vector<16xf32>,
      tpu.vector_store %arg5[%swap3A_370, %swap3A_371], %broadcast_in_dim3A_3 {strides = array<i32>} : memref<48x1024xf32, #tpu.memory_space<vmem>>, vector<16xf32>,
      %swap3A_373 = arith.index_cast %scan3A_202 : i32 to index
      %swap3A_374 = arith.constant 912 : index
      %swap3A_375 = tpu.vector_load %arg5[%swap3A_373, %swap3A_374] {strides = array<i32>} : memref<48x1024xf32, #tpu.memory_space<vmem>>, vector<16xf32>,
      tpu.vector_store %arg5[%swap3A_373, %swap3A_374], %broadcast_in_dim3A_3 {strides = array<i32>} : memref<48x1024xf32, #tpu.memory_space<vmem>>, vector<16xf32>,
      %swap3A_376 = arith.index_cast %scan3A_202 : i32 to index
      %swap3A_377 = arith.constant 928 : index
      %swap3A_378 = tpu.vector_load %arg5[%swap3A_376, %swap3A_377] {strides = array<i32>} : memref<48x1024xf32, #tpu.memory_space<vmem>>, vector<16xf32>,
      tpu.vector_store %arg5[%swap3A_376, %swap3A_377], %broadcast_in_dim3A_3 {strides = array<i32>} : memref<48x1024xf32, #tpu.memory_space<vmem>>, vector<16xf32>,
      %swap3A_379 = arith.index_cast %scan3A_202 : i32 to index
      %swap3A_380 = arith.constant 944 : index
      %swap3A_381 = tpu.vector_load %arg5[%swap3A_379, %swap3A_380] {strides = array<i32>} : memref<48x1024xf32, #tpu.memory_space<vmem>>, vector<16xf32>,
      tpu.vector_store %arg5[%swap3A_379, %swap3A_380], %broadcast_in_dim3A_3 {strides = array<i32>} : memref<48x1024xf32, #tpu.memory_space<vmem>>, vector<16xf32>,
      %swap3A_382 = arith.index_cast %scan3A_202 : i32 to index
      %swap3A_383 = arith.constant 960 : index
      %swap3A_384 = tpu.vector_load %arg5[%swap3A_382, %swap3A_383] {strides = array<i32>} : memref<48x1024xf32, #tpu.memory_space<vmem>>, vector<16xf32>,
      tpu.vector_store %arg5[%swap3A_382, %swap3A_383], %broadcast_in_dim3A_3 {strides = array<i32>} : memref<48x1024xf32, #tpu.memory_space<vmem>>, vector<16xf32>,
      %swap3A_385 = arith.index_cast %scan3A_202 : i32 to index
      %swap3A_386 = arith.constant 976 : index
      %swap3A_387 = tpu.vector_load %arg5[%swap3A_385, %swap3A_386] {strides = array<i32>} : memref<48x1024xf32, #tpu.memory_space<vmem>>, vector<16xf32>,
      tpu.vector_store %arg5[%swap3A_385, %swap3A_386], %broadcast_in_dim3A_3 {strides = array<i32>} : memref<48x1024xf32, #tpu.memory_space<vmem>>, vector<16xf32>,
      %swap3A_388 = arith.index_cast %scan3A_202 : i32 to index
      %swap3A_389 = arith.constant 992 : index
      %swap3A_390 = tpu.vector_load %arg5[%swap3A_388, %swap3A_389] {strides = array<i32>} : memref<48x1024xf32, #tpu.memory_space<vmem>>, vector<16xf32>,
      tpu.vector_store %arg5[%swap3A_388, %swap3A_389], %broadcast_in_dim3A_3 {strides = array<i32>} : memref<48x1024xf32, #tpu.memory_space<vmem>>, vector<16xf32>,
      %swap3A_391 = arith.index_cast %scan3A_202 : i32 to index
      %swap3A_392 = arith.constant 1008 : index
      %swap3A_393 = tpu.vector_load %arg5[%swap3A_391, %swap3A_392] {strides = array<i32>} : memref<48x1024xf32, #tpu.memory_space<vmem>>, vector<16xf32>,
      tpu.vector_store %arg5[%swap3A_391, %swap3A_392], %broadcast_in_dim3A_3 {strides = array<i32>} : memref<48x1024xf32, #tpu.memory_space<vmem>>, vector<16xf32>,
    }
    %scan3A_10 = arith.constant 48 : i32
    %get3A = arith.constant 0 : index
    %get3A_11 = tpu.vector_load %arg4[%get3A] {strides = array<i32>} : memref<288xi32, #tpu.memory_space<vmem>>, vector<16xi32>,
    %add3A_12 = arith.constant 0 : i32
    %add3A_13 = vector.broadcast %add3A_12 : i32 to vector<16xi32>
    %add3A_14 = arith.addi %iota3A, %add3A_13 : vector<16xi32>
    tpu.vector_store_idx %arg5[%add3A_14, %get3A_11], %broadcast_in_dim3A_5 : memref<48x1024xf32, #tpu.memory_space<vmem>>[vector<16xi32>, vector<16xi32>], vector<16xf32>,
    %get3A_15 = arith.constant 16 : index
    %get3A_16 = tpu.vector_load %arg4[%get3A_15] {strides = array<i32>} : memref<288xi32, #tpu.memory_space<vmem>>, vector<16xi32>,
    %add3A_17 = arith.constant 16 : i32
    %add3A_18 = vector.broadcast %add3A_17 : i32 to vector<16xi32>
    %add3A_19 = arith.addi %iota3A, %add3A_18 : vector<16xi32>
    tpu.vector_store_idx %arg5[%add3A_19, %get3A_16], %broadcast_in_dim3A_5 : memref<48x1024xf32, #tpu.memory_space<vmem>>[vector<16xi32>, vector<16xi32>], vector<16xf32>,
    %get3A_20 = arith.constant 32 : index
    %get3A_21 = tpu.vector_load %arg4[%get3A_20] {strides = array<i32>} : memref<288xi32, #tpu.memory_space<vmem>>, vector<16xi32>,
    %add3A_22 = arith.constant 32 : i32
    %add3A_23 = vector.broadcast %add3A_22 : i32 to vector<16xi32>
    %add3A_24 = arith.addi %iota3A, %add3A_23 : vector<16xi32>
    tpu.vector_store_idx %arg5[%add3A_24, %get3A_21], %broadcast_in_dim3A_5 : memref<48x1024xf32, #tpu.memory_space<vmem>>[vector<16xi32>, vector<16xi32>], vector<16xf32>,
    %add3A_25 = arith.constant 0 : i32
    %add3A_26 = arith.addi %mul3A_2, %add3A_25 : i32
    "tpu.region"() ({
      %run_scoped3A = tpu.sem_alloc : memref<!tpu.dma_semaphore, #tpu.memory_space<semaphore_mem>>
      %dma_start3A = arith.constant 0 : i32
      %dma_start3A_202 = tpu.memref_slice %arg3[%add3A_26, %dma_start3A] : memref<9216x1024xf32, #tpu.memory_space<hbm>> -> memref<48x1024xf32, #tpu.memory_space<hbm>>
      %dma_start3A_203 = arith.constant 0 : i32
      %dma_start3A_204 = tpu.memref_slice %arg3[%add3A_26, %dma_start3A_203] : memref<9216x1024xf32, #tpu.memory_space<hbm>> -> memref<48x1024xf32, #tpu.memory_space<hbm>>
      tpu.enqueue_dma source(%arg5 : memref<48x1024xf32, #tpu.memory_space<vmem>>) target(%dma_start3A_204 : memref<48x1024xf32, #tpu.memory_space<hbm>>) target_semaphore(%run_scoped3A : memref<!tpu.dma_semaphore, #tpu.memory_space<semaphore_mem>>)
      %dma_wait3A = arith.constant 0 : i32
      %dma_wait3A_205 = tpu.memref_slice %arg3[%add3A_26, %dma_wait3A] : memref<9216x1024xf32, #tpu.memory_space<hbm>> -> memref<48x1024xf32, #tpu.memory_space<hbm>>
      %dma_wait3A_206 = arith.constant 0 : i32
      %dma_wait3A_207 = tpu.memref_slice %arg3[%add3A_26, %dma_wait3A_206] : memref<9216x1024xf32, #tpu.memory_space<hbm>> -> memref<48x1024xf32, #tpu.memory_space<hbm>>
      tpu.wait_dma2 semaphore(%run_scoped3A : memref<!tpu.dma_semaphore, #tpu.memory_space<semaphore_mem>>) src(%arg5 : memref<48x1024xf32, #tpu.memory_space<vmem>>) dst(%dma_wait3A_207 : memref<48x1024xf32, #tpu.memory_space<hbm>>)
      tpu.yield
    }) : () -> ()
    %get3A_27 = arith.constant 0 : index
    %get3A_28 = tpu.vector_load %arg4[%get3A_27] {strides = array<i32>} : memref<288xi32, #tpu.memory_space<vmem>>, vector<16xi32>,
    %add3A_29 = arith.constant 0 : i32
    %add3A_30 = vector.broadcast %add3A_29 : i32 to vector<16xi32>
    %add3A_31 = arith.addi %iota3A, %add3A_30 : vector<16xi32>
    tpu.vector_store_idx %arg5[%add3A_31, %get3A_28], %broadcast_in_dim3A_3 : memref<48x1024xf32, #tpu.memory_space<vmem>>[vector<16xi32>, vector<16xi32>], vector<16xf32>,
    %get3A_32 = arith.constant 16 : index
    %get3A_33 = tpu.vector_load %arg4[%get3A_32] {strides = array<i32>} : memref<288xi32, #tpu.memory_space<vmem>>, vector<16xi32>,
    %add3A_34 = arith.constant 16 : i32
    %add3A_35 = vector.broadcast %add3A_34 : i32 to vector<16xi32>
    %add3A_36 = arith.addi %iota3A, %add3A_35 : vector<16xi32>
    tpu.vector_store_idx %arg5[%add3A_36, %get3A_33], %broadcast_in_dim3A_3 : memref<48x1024xf32, #tpu.memory_space<vmem>>[vector<16xi32>, vector<16xi32>], vector<16xf32>,
    %get3A_37 = arith.constant 32 : index
    %get3A_38 = tpu.vector_load %arg4[%get3A_37] {strides = array<i32>} : memref<288xi32, #tpu.memory_space<vmem>>, vector<16xi32>,
    %add3A_39 = arith.constant 32 : i32
    %add3A_40 = vector.broadcast %add3A_39 : i32 to vector<16xi32>
    %add3A_41 = arith.addi %iota3A, %add3A_40 : vector<16xi32>
    tpu.vector_store_idx %arg5[%add3A_41, %get3A_38], %broadcast_in_dim3A_3 : memref<48x1024xf32, #tpu.memory_space<vmem>>[vector<16xi32>, vector<16xi32>], vector<16xf32>,
    %get3A_42 = arith.constant 48 : index
    %get3A_43 = tpu.vector_load %arg4[%get3A_42] {strides = array<i32>} : memref<288xi32, #tpu.memory_space<vmem>>, vector<16xi32>,
    %add3A_44 = arith.constant 0 : i32
    %add3A_45 = vector.broadcast %add3A_44 : i32 to vector<16xi32>
    %add3A_46 = arith.addi %iota3A, %add3A_45 : vector<16xi32>
    tpu.vector_store_idx %arg5[%add3A_46, %get3A_43], %broadcast_in_dim3A_5 : memref<48x1024xf32, #tpu.memory_space<vmem>>[vector<16xi32>, vector<16xi32>], vector<16xf32>,
    %get3A_47 = arith.constant 64 : index
    %get3A_48 = tpu.vector_load %arg4[%get3A_47] {strides = array<i32>} : memref<288xi32, #tpu.memory_space<vmem>>, vector<16xi32>,
    %add3A_49 = arith.constant 16 : i32
    %add3A_50 = vector.broadcast %add3A_49 : i32 to vector<16xi32>
    %add3A_51 = arith.addi %iota3A, %add3A_50 : vector<16xi32>
    tpu.vector_store_idx %arg5[%add3A_51, %get3A_48], %broadcast_in_dim3A_5 : memref<48x1024xf32, #tpu.memory_space<vmem>>[vector<16xi32>, vector<16xi32>], vector<16xf32>,
    %get3A_52 = arith.constant 80 : index
    %get3A_53 = tpu.vector_load %arg4[%get3A_52] {strides = array<i32>} : memref<288xi32, #tpu.memory_space<vmem>>, vector<16xi32>,
    %add3A_54 = arith.constant 32 : i32
    %add3A_55 = vector.broadcast %add3A_54 : i32 to vector<16xi32>
    %add3A_56 = arith.addi %iota3A, %add3A_55 : vector<16xi32>
    tpu.vector_store_idx %arg5[%add3A_56, %get3A_53], %broadcast_in_dim3A_5 : memref<48x1024xf32, #tpu.memory_space<vmem>>[vector<16xi32>, vector<16xi32>], vector<16xf32>,
    %add3A_57 = arith.constant 48 : i32
    %add3A_58 = arith.addi %mul3A_2, %add3A_57 : i32
    "tpu.region"() ({
      %run_scoped3A = tpu.sem_alloc : memref<!tpu.dma_semaphore, #tpu.memory_space<semaphore_mem>>
      %dma_start3A = arith.constant 0 : i32
      %dma_start3A_202 = tpu.memref_slice %arg3[%add3A_58, %dma_start3A] : memref<9216x1024xf32, #tpu.memory_space<hbm>> -> memref<48x1024xf32, #tpu.memory_space<hbm>>
      %dma_start3A_203 = arith.constant 0 : i32
      %dma_start3A_204 = tpu.memref_slice %arg3[%add3A_58, %dma_start3A_203] : memref<9216x1024xf32, #tpu.memory_space<hbm>> -> memref<48x1024xf32, #tpu.memory_space<hbm>>
      tpu.enqueue_dma source(%arg5 : memref<48x1024xf32, #tpu.memory_space<vmem>>) target(%dma_start3A_204 : memref<48x1024xf32, #tpu.memory_space<hbm>>) target_semaphore(%run_scoped3A : memref<!tpu.dma_semaphore, #tpu.memory_space<semaphore_mem>>)
      %dma_wait3A = arith.constant 0 : i32
      %dma_wait3A_205 = tpu.memref_slice %arg3[%add3A_58, %dma_wait3A] : memref<9216x1024xf32, #tpu.memory_space<hbm>> -> memref<48x1024xf32, #tpu.memory_space<hbm>>
      %dma_wait3A_206 = arith.constant 0 : i32
      %dma_wait3A_207 = tpu.memref_slice %arg3[%add3A_58, %dma_wait3A_206] : memref<9216x1024xf32, #tpu.memory_space<hbm>> -> memref<48x1024xf32, #tpu.memory_space<hbm>>
      tpu.wait_dma2 semaphore(%run_scoped3A : memref<!tpu.dma_semaphore, #tpu.memory_space<semaphore_mem>>) src(%arg5 : memref<48x1024xf32, #tpu.memory_space<vmem>>) dst(%dma_wait3A_207 : memref<48x1024xf32, #tpu.memory_space<hbm>>)
      tpu.yield
    }) : () -> ()
    %get3A_59 = arith.constant 48 : index
    %get3A_60 = tpu.vector_load %arg4[%get3A_59] {strides = array<i32>} : memref<288xi32, #tpu.memory_space<vmem>>, vector<16xi32>,
    %add3A_61 = arith.constant 0 : i32
    %add3A_62 = vector.broadcast %add3A_61 : i32 to vector<16xi32>
    %add3A_63 = arith.addi %iota3A, %add3A_62 : vector<16xi32>
    tpu.vector_store_idx %arg5[%add3A_63, %get3A_60], %broadcast_in_dim3A_3 : memref<48x1024xf32, #tpu.memory_space<vmem>>[vector<16xi32>, vector<16xi32>], vector<16xf32>,
    %get3A_64 = arith.constant 64 : index
    %get3A_65 = tpu.vector_load %arg4[%get3A_64] {strides = array<i32>} : memref<288xi32, #tpu.memory_space<vmem>>, vector<16xi32>,
    %add3A_66 = arith.constant 16 : i32
    %add3A_67 = vector.broadcast %add3A_66 : i32 to vector<16xi32>
    %add3A_68 = arith.addi %iota3A, %add3A_67 : vector<16xi32>
    tpu.vector_store_idx %arg5[%add3A_68, %get3A_65], %broadcast_in_dim3A_3 : memref<48x1024xf32, #tpu.memory_space<vmem>>[vector<16xi32>, vector<16xi32>], vector<16xf32>,
    %get3A_69 = arith.constant 80 : index
    %get3A_70 = tpu.vector_load %arg4[%get3A_69] {strides = array<i32>} : memref<288xi32, #tpu.memory_space<vmem>>, vector<16xi32>,
    %add3A_71 = arith.constant 32 : i32
    %add3A_72 = vector.broadcast %add3A_71 : i32 to vector<16xi32>
    %add3A_73 = arith.addi %iota3A, %add3A_72 : vector<16xi32>
    tpu.vector_store_idx %arg5[%add3A_73, %get3A_70], %broadcast_in_dim3A_3 : memref<48x1024xf32, #tpu.memory_space<vmem>>[vector<16xi32>, vector<16xi32>], vector<16xf32>,
    %get3A_74 = arith.constant 96 : index
    %get3A_75 = tpu.vector_load %arg4[%get3A_74] {strides = array<i32>} : memref<288xi32, #tpu.memory_space<vmem>>, vector<16xi32>,
    %add3A_76 = arith.constant 0 : i32
    %add3A_77 = vector.broadcast %add3A_76 : i32 to vector<16xi32>
    %add3A_78 = arith.addi %iota3A, %add3A_77 : vector<16xi32>
    tpu.vector_store_idx %arg5[%add3A_78, %get3A_75], %broadcast_in_dim3A_5 : memref<48x1024xf32, #tpu.memory_space<vmem>>[vector<16xi32>, vector<16xi32>], vector<16xf32>,
    %get3A_79 = arith.constant 112 : index
    %get3A_80 = tpu.vector_load %arg4[%get3A_79] {strides = array<i32>} : memref<288xi32, #tpu.memory_space<vmem>>, vector<16xi32>,
    %add3A_81 = arith.constant 16 : i32
    %add3A_82 = vector.broadcast %add3A_81 : i32 to vector<16xi32>
    %add3A_83 = arith.addi %iota3A, %add3A_82 : vector<16xi32>
    tpu.vector_store_idx %arg5[%add3A_83, %get3A_80], %broadcast_in_dim3A_5 : memref<48x1024xf32, #tpu.memory_space<vmem>>[vector<16xi32>, vector<16xi32>], vector<16xf32>,
    %get3A_84 = arith.constant 128 : index
    %get3A_85 = tpu.vector_load %arg4[%get3A_84] {strides = array<i32>} : memref<288xi32, #tpu.memory_space<vmem>>, vector<16xi32>,
    %add3A_86 = arith.constant 32 : i32
    %add3A_87 = vector.broadcast %add3A_86 : i32 to vector<16xi32>
    %add3A_88 = arith.addi %iota3A, %add3A_87 : vector<16xi32>
    tpu.vector_store_idx %arg5[%add3A_88, %get3A_85], %broadcast_in_dim3A_5 : memref<48x1024xf32, #tpu.memory_space<vmem>>[vector<16xi32>, vector<16xi32>], vector<16xf32>,
    %add3A_89 = arith.constant 96 : i32
    %add3A_90 = arith.addi %mul3A_2, %add3A_89 : i32
    "tpu.region"() ({
      %run_scoped3A = tpu.sem_alloc : memref<!tpu.dma_semaphore, #tpu.memory_space<semaphore_mem>>
      %dma_start3A = arith.constant 0 : i32
      %dma_start3A_202 = tpu.memref_slice %arg3[%add3A_90, %dma_start3A] : memref<9216x1024xf32, #tpu.memory_space<hbm>> -> memref<48x1024xf32, #tpu.memory_space<hbm>>
      %dma_start3A_203 = arith.constant 0 : i32
      %dma_start3A_204 = tpu.memref_slice %arg3[%add3A_90, %dma_start3A_203] : memref<9216x1024xf32, #tpu.memory_space<hbm>> -> memref<48x1024xf32, #tpu.memory_space<hbm>>
      tpu.enqueue_dma source(%arg5 : memref<48x1024xf32, #tpu.memory_space<vmem>>) target(%dma_start3A_204 : memref<48x1024xf32, #tpu.memory_space<hbm>>) target_semaphore(%run_scoped3A : memref<!tpu.dma_semaphore, #tpu.memory_space<semaphore_mem>>)
      %dma_wait3A = arith.constant 0 : i32
      %dma_wait3A_205 = tpu.memref_slice %arg3[%add3A_90, %dma_wait3A] : memref<9216x1024xf32, #tpu.memory_space<hbm>> -> memref<48x1024xf32, #tpu.memory_space<hbm>>
      %dma_wait3A_206 = arith.constant 0 : i32
      %dma_wait3A_207 = tpu.memref_slice %arg3[%add3A_90, %dma_wait3A_206] : memref<9216x1024xf32, #tpu.memory_space<hbm>> -> memref<48x1024xf32, #tpu.memory_space<hbm>>
      tpu.wait_dma2 semaphore(%run_scoped3A : memref<!tpu.dma_semaphore, #tpu.memory_space<semaphore_mem>>) src(%arg5 : memref<48x1024xf32, #tpu.memory_space<vmem>>) dst(%dma_wait3A_207 : memref<48x1024xf32, #tpu.memory_space<hbm>>)
      tpu.yield
    }) : () -> ()
    %get3A_91 = arith.constant 96 : index
    %get3A_92 = tpu.vector_load %arg4[%get3A_91] {strides = array<i32>} : memref<288xi32, #tpu.memory_space<vmem>>, vector<16xi32>,
    %add3A_93 = arith.constant 0 : i32
    %add3A_94 = vector.broadcast %add3A_93 : i32 to vector<16xi32>
    %add3A_95 = arith.addi %iota3A, %add3A_94 : vector<16xi32>
    tpu.vector_store_idx %arg5[%add3A_95, %get3A_92], %broadcast_in_dim3A_3 : memref<48x1024xf32, #tpu.memory_space<vmem>>[vector<16xi32>, vector<16xi32>], vector<16xf32>,
    %get3A_96 = arith.constant 112 : index
    %get3A_97 = tpu.vector_load %arg4[%get3A_96] {strides = array<i32>} : memref<288xi32, #tpu.memory_space<vmem>>, vector<16xi32>,
    %add3A_98 = arith.constant 16 : i32
    %add3A_99 = vector.broadcast %add3A_98 : i32 to vector<16xi32>
    %add3A_100 = arith.addi %iota3A, %add3A_99 : vector<16xi32>
    tpu.vector_store_idx %arg5[%add3A_100, %get3A_97], %broadcast_in_dim3A_3 : memref<48x1024xf32, #tpu.memory_space<vmem>>[vector<16xi32>, vector<16xi32>], vector<16xf32>,
    %get3A_101 = arith.constant 128 : index
    %get3A_102 = tpu.vector_load %arg4[%get3A_101] {strides = array<i32>} : memref<288xi32, #tpu.memory_space<vmem>>, vector<16xi32>,
    %add3A_103 = arith.constant 32 : i32
    %add3A_104 = vector.broadcast %add3A_103 : i32 to vector<16xi32>
    %add3A_105 = arith.addi %iota3A, %add3A_104 : vector<16xi32>
    tpu.vector_store_idx %arg5[%add3A_105, %get3A_102], %broadcast_in_dim3A_3 : memref<48x1024xf32, #tpu.memory_space<vmem>>[vector<16xi32>, vector<16xi32>], vector<16xf32>,
    %get3A_106 = arith.constant 144 : index
    %get3A_107 = tpu.vector_load %arg4[%get3A_106] {strides = array<i32>} : memref<288xi32, #tpu.memory_space<vmem>>, vector<16xi32>,
    %add3A_108 = arith.constant 0 : i32
    %add3A_109 = vector.broadcast %add3A_108 : i32 to vector<16xi32>
    %add3A_110 = arith.addi %iota3A, %add3A_109 : vector<16xi32>
    tpu.vector_store_idx %arg5[%add3A_110, %get3A_107], %broadcast_in_dim3A_5 : memref<48x1024xf32, #tpu.memory_space<vmem>>[vector<16xi32>, vector<16xi32>], vector<16xf32>,
    %get3A_111 = arith.constant 160 : index
    %get3A_112 = tpu.vector_load %arg4[%get3A_111] {strides = array<i32>} : memref<288xi32, #tpu.memory_space<vmem>>, vector<16xi32>,
    %add3A_113 = arith.constant 16 : i32
    %add3A_114 = vector.broadcast %add3A_113 : i32 to vector<16xi32>
    %add3A_115 = arith.addi %iota3A, %add3A_114 : vector<16xi32>
    tpu.vector_store_idx %arg5[%add3A_115, %get3A_112], %broadcast_in_dim3A_5 : memref<48x1024xf32, #tpu.memory_space<vmem>>[vector<16xi32>, vector<16xi32>], vector<16xf32>,
    %get3A_116 = arith.constant 176 : index
    %get3A_117 = tpu.vector_load %arg4[%get3A_116] {strides = array<i32>} : memref<288xi32, #tpu.memory_space<vmem>>, vector<16xi32>,
    %add3A_118 = arith.constant 32 : i32
    %add3A_119 = vector.broadcast %add3A_118 : i32 to vector<16xi32>
    %add3A_120 = arith.addi %iota3A, %add3A_119 : vector<16xi32>
    tpu.vector_store_idx %arg5[%add3A_120, %get3A_117], %broadcast_in_dim3A_5 : memref<48x1024xf32, #tpu.memory_space<vmem>>[vector<16xi32>, vector<16xi32>], vector<16xf32>,
    %add3A_121 = arith.constant 144 : i32
    %add3A_122 = arith.addi %mul3A_2, %add3A_121 : i32
    "tpu.region"() ({
      %run_scoped3A = tpu.sem_alloc : memref<!tpu.dma_semaphore, #tpu.memory_space<semaphore_mem>>
      %dma_start3A = arith.constant 0 : i32
      %dma_start3A_202 = tpu.memref_slice %arg3[%add3A_122, %dma_start3A] : memref<9216x1024xf32, #tpu.memory_space<hbm>> -> memref<48x1024xf32, #tpu.memory_space<hbm>>
      %dma_start3A_203 = arith.constant 0 : i32
      %dma_start3A_204 = tpu.memref_slice %arg3[%add3A_122, %dma_start3A_203] : memref<9216x1024xf32, #tpu.memory_space<hbm>> -> memref<48x1024xf32, #tpu.memory_space<hbm>>
      tpu.enqueue_dma source(%arg5 : memref<48x1024xf32, #tpu.memory_space<vmem>>) target(%dma_start3A_204 : memref<48x1024xf32, #tpu.memory_space<hbm>>) target_semaphore(%run_scoped3A : memref<!tpu.dma_semaphore, #tpu.memory_space<semaphore_mem>>)
      %dma_wait3A = arith.constant 0 : i32
      %dma_wait3A_205 = tpu.memref_slice %arg3[%add3A_122, %dma_wait3A] : memref<9216x1024xf32, #tpu.memory_space<hbm>> -> memref<48x1024xf32, #tpu.memory_space<hbm>>
      %dma_wait3A_206 = arith.constant 0 : i32
      %dma_wait3A_207 = tpu.memref_slice %arg3[%add3A_122, %dma_wait3A_206] : memref<9216x1024xf32, #tpu.memory_space<hbm>> -> memref<48x1024xf32, #tpu.memory_space<hbm>>
      tpu.wait_dma2 semaphore(%run_scoped3A : memref<!tpu.dma_semaphore, #tpu.memory_space<semaphore_mem>>) src(%arg5 : memref<48x1024xf32, #tpu.memory_space<vmem>>) dst(%dma_wait3A_207 : memref<48x1024xf32, #tpu.memory_space<hbm>>)
      tpu.yield
    }) : () -> ()
    %get3A_123 = arith.constant 144 : index
    %get3A_124 = tpu.vector_load %arg4[%get3A_123] {strides = array<i32>} : memref<288xi32, #tpu.memory_space<vmem>>, vector<16xi32>,
    %add3A_125 = arith.constant 0 : i32
    %add3A_126 = vector.broadcast %add3A_125 : i32 to vector<16xi32>
    %add3A_127 = arith.addi %iota3A, %add3A_126 : vector<16xi32>
    tpu.vector_store_idx %arg5[%add3A_127, %get3A_124], %broadcast_in_dim3A_3 : memref<48x1024xf32, #tpu.memory_space<vmem>>[vector<16xi32>, vector<16xi32>], vector<16xf32>,
    %get3A_128 = arith.constant 160 : index
    %get3A_129 = tpu.vector_load %arg4[%get3A_128] {strides = array<i32>} : memref<288xi32, #tpu.memory_space<vmem>>, vector<16xi32>,
    %add3A_130 = arith.constant 16 : i32
    %add3A_131 = vector.broadcast %add3A_130 : i32 to vector<16xi32>
    %add3A_132 = arith.addi %iota3A, %add3A_131 : vector<16xi32>
    tpu.vector_store_idx %arg5[%add3A_132, %get3A_129], %broadcast_in_dim3A_3 : memref<48x1024xf32, #tpu.memory_space<vmem>>[vector<16xi32>, vector<16xi32>], vector<16xf32>,
    %get3A_133 = arith.constant 176 : index
    %get3A_134 = tpu.vector_load %arg4[%get3A_133] {strides = array<i32>} : memref<288xi32, #tpu.memory_space<vmem>>, vector<16xi32>,
    %add3A_135 = arith.constant 32 : i32
    %add3A_136 = vector.broadcast %add3A_135 : i32 to vector<16xi32>
    %add3A_137 = arith.addi %iota3A, %add3A_136 : vector<16xi32>
    tpu.vector_store_idx %arg5[%add3A_137, %get3A_134], %broadcast_in_dim3A_3 : memref<48x1024xf32, #tpu.memory_space<vmem>>[vector<16xi32>, vector<16xi32>], vector<16xf32>,
    %get3A_138 = arith.constant 192 : index
    %get3A_139 = tpu.vector_load %arg4[%get3A_138] {strides = array<i32>} : memref<288xi32, #tpu.memory_space<vmem>>, vector<16xi32>,
    %add3A_140 = arith.constant 0 : i32
    %add3A_141 = vector.broadcast %add3A_140 : i32 to vector<16xi32>
    %add3A_142 = arith.addi %iota3A, %add3A_141 : vector<16xi32>
    tpu.vector_store_idx %arg5[%add3A_142, %get3A_139], %broadcast_in_dim3A_5 : memref<48x1024xf32, #tpu.memory_space<vmem>>[vector<16xi32>, vector<16xi32>], vector<16xf32>,
    %get3A_143 = arith.constant 208 : index
    %get3A_144 = tpu.vector_load %arg4[%get3A_143] {strides = array<i32>} : memref<288xi32, #tpu.memory_space<vmem>>, vector<16xi32>,
    %add3A_145 = arith.constant 16 : i32
    %add3A_146 = vector.broadcast %add3A_145 : i32 to vector<16xi32>
    %add3A_147 = arith.addi %iota3A, %add3A_146 : vector<16xi32>
    tpu.vector_store_idx %arg5[%add3A_147, %get3A_144], %broadcast_in_dim3A_5 : memref<48x1024xf32, #tpu.memory_space<vmem>>[vector<16xi32>, vector<16xi32>], vector<16xf32>,
    %get3A_148 = arith.constant 224 : index
    %get3A_149 = tpu.vector_load %arg4[%get3A_148] {strides = array<i32>} : memref<288xi32, #tpu.memory_space<vmem>>, vector<16xi32>,
    %add3A_150 = arith.constant 32 : i32
    %add3A_151 = vector.broadcast %add3A_150 : i32 to vector<16xi32>
    %add3A_152 = arith.addi %iota3A, %add3A_151 : vector<16xi32>
    tpu.vector_store_idx %arg5[%add3A_152, %get3A_149], %broadcast_in_dim3A_5 : memref<48x1024xf32, #tpu.memory_space<vmem>>[vector<16xi32>, vector<16xi32>], vector<16xf32>,
    %add3A_153 = arith.constant 192 : i32
    %add3A_154 = arith.addi %mul3A_2, %add3A_153 : i32
    "tpu.region"() ({
      %run_scoped3A = tpu.sem_alloc : memref<!tpu.dma_semaphore, #tpu.memory_space<semaphore_mem>>
      %dma_start3A = arith.constant 0 : i32
      %dma_start3A_202 = tpu.memref_slice %arg3[%add3A_154, %dma_start3A] : memref<9216x1024xf32, #tpu.memory_space<hbm>> -> memref<48x1024xf32, #tpu.memory_space<hbm>>
      %dma_start3A_203 = arith.constant 0 : i32
      %dma_start3A_204 = tpu.memref_slice %arg3[%add3A_154, %dma_start3A_203] : memref<9216x1024xf32, #tpu.memory_space<hbm>> -> memref<48x1024xf32, #tpu.memory_space<hbm>>
      tpu.enqueue_dma source(%arg5 : memref<48x1024xf32, #tpu.memory_space<vmem>>) target(%dma_start3A_204 : memref<48x1024xf32, #tpu.memory_space<hbm>>) target_semaphore(%run_scoped3A : memref<!tpu.dma_semaphore, #tpu.memory_space<semaphore_mem>>)
      %dma_wait3A = arith.constant 0 : i32
      %dma_wait3A_205 = tpu.memref_slice %arg3[%add3A_154, %dma_wait3A] : memref<9216x1024xf32, #tpu.memory_space<hbm>> -> memref<48x1024xf32, #tpu.memory_space<hbm>>
      %dma_wait3A_206 = arith.constant 0 : i32
      %dma_wait3A_207 = tpu.memref_slice %arg3[%add3A_154, %dma_wait3A_206] : memref<9216x1024xf32, #tpu.memory_space<hbm>> -> memref<48x1024xf32, #tpu.memory_space<hbm>>
      tpu.wait_dma2 semaphore(%run_scoped3A : memref<!tpu.dma_semaphore, #tpu.memory_space<semaphore_mem>>) src(%arg5 : memref<48x1024xf32, #tpu.memory_space<vmem>>) dst(%dma_wait3A_207 : memref<48x1024xf32, #tpu.memory_space<hbm>>)
      tpu.yield
    }) : () -> ()
    %get3A_155 = arith.constant 192 : index
    %get3A_156 = tpu.vector_load %arg4[%get3A_155] {strides = array<i32>} : memref<288xi32, #tpu.memory_space<vmem>>, vector<16xi32>,
    %add3A_157 = arith.constant 0 : i32
    %add3A_158 = vector.broadcast %add3A_157 : i32 to vector<16xi32>
    %add3A_159 = arith.addi %iota3A, %add3A_158 : vector<16xi32>
    tpu.vector_store_idx %arg5[%add3A_159, %get3A_156], %broadcast_in_dim3A_3 : memref<48x1024xf32, #tpu.memory_space<vmem>>[vector<16xi32>, vector<16xi32>], vector<16xf32>,
    %get3A_160 = arith.constant 208 : index
    %get3A_161 = tpu.vector_load %arg4[%get3A_160] {strides = array<i32>} : memref<288xi32, #tpu.memory_space<vmem>>, vector<16xi32>,
    %add3A_162 = arith.constant 16 : i32
    %add3A_163 = vector.broadcast %add3A_162 : i32 to vector<16xi32>
    %add3A_164 = arith.addi %iota3A, %add3A_163 : vector<16xi32>
    tpu.vector_store_idx %arg5[%add3A_164, %get3A_161], %broadcast_in_dim3A_3 : memref<48x1024xf32, #tpu.memory_space<vmem>>[vector<16xi32>, vector<16xi32>], vector<16xf32>,
    %get3A_165 = arith.constant 224 : index
    %get3A_166 = tpu.vector_load %arg4[%get3A_165] {strides = array<i32>} : memref<288xi32, #tpu.memory_space<vmem>>, vector<16xi32>,
    %add3A_167 = arith.constant 32 : i32
    %add3A_168 = vector.broadcast %add3A_167 : i32 to vector<16xi32>
    %add3A_169 = arith.addi %iota3A, %add3A_168 : vector<16xi32>
    tpu.vector_store_idx %arg5[%add3A_169, %get3A_166], %broadcast_in_dim3A_3 : memref<48x1024xf32, #tpu.memory_space<vmem>>[vector<16xi32>, vector<16xi32>], vector<16xf32>,
    %get3A_170 = arith.constant 240 : index
    %get3A_171 = tpu.vector_load %arg4[%get3A_170] {strides = array<i32>} : memref<288xi32, #tpu.memory_space<vmem>>, vector<16xi32>,
    %add3A_172 = arith.constant 0 : i32
    %add3A_173 = vector.broadcast %add3A_172 : i32 to vector<16xi32>
    %add3A_174 = arith.addi %iota3A, %add3A_173 : vector<16xi32>
    tpu.vector_store_idx %arg5[%add3A_174, %get3A_171], %broadcast_in_dim3A_5 : memref<48x1024xf32, #tpu.memory_space<vmem>>[vector<16xi32>, vector<16xi32>], vector<16xf32>,
    %get3A_175 = arith.constant 256 : index
    %get3A_176 = tpu.vector_load %arg4[%get3A_175] {strides = array<i32>} : memref<288xi32, #tpu.memory_space<vmem>>, vector<16xi32>,
    %add3A_177 = arith.constant 16 : i32
    %add3A_178 = vector.broadcast %add3A_177 : i32 to vector<16xi32>
    %add3A_179 = arith.addi %iota3A, %add3A_178 : vector<16xi32>
    tpu.vector_store_idx %arg5[%add3A_179, %get3A_176], %broadcast_in_dim3A_5 : memref<48x1024xf32, #tpu.memory_space<vmem>>[vector<16xi32>, vector<16xi32>], vector<16xf32>,
    %get3A_180 = arith.constant 272 : index
    %get3A_181 = tpu.vector_load %arg4[%get3A_180] {strides = array<i32>} : memref<288xi32, #tpu.memory_space<vmem>>, vector<16xi32>,
    %add3A_182 = arith.constant 32 : i32
    %add3A_183 = vector.broadcast %add3A_182 : i32 to vector<16xi32>
    %add3A_184 = arith.addi %iota3A, %add3A_183 : vector<16xi32>
    tpu.vector_store_idx %arg5[%add3A_184, %get3A_181], %broadcast_in_dim3A_5 : memref<48x1024xf32, #tpu.memory_space<vmem>>[vector<16xi32>, vector<16xi32>], vector<16xf32>,
    %add3A_185 = arith.constant 240 : i32
    %add3A_186 = arith.addi %mul3A_2, %add3A_185 : i32
    "tpu.region"() ({
      %run_scoped3A = tpu.sem_alloc : memref<!tpu.dma_semaphore, #tpu.memory_space<semaphore_mem>>
      %dma_start3A = arith.constant 0 : i32
      %dma_start3A_202 = tpu.memref_slice %arg3[%add3A_186, %dma_start3A] : memref<9216x1024xf32, #tpu.memory_space<hbm>> -> memref<48x1024xf32, #tpu.memory_space<hbm>>
      %dma_start3A_203 = arith.constant 0 : i32
      %dma_start3A_204 = tpu.memref_slice %arg3[%add3A_186, %dma_start3A_203] : memref<9216x1024xf32, #tpu.memory_space<hbm>> -> memref<48x1024xf32, #tpu.memory_space<hbm>>
      tpu.enqueue_dma source(%arg5 : memref<48x1024xf32, #tpu.memory_space<vmem>>) target(%dma_start3A_204 : memref<48x1024xf32, #tpu.memory_space<hbm>>) target_semaphore(%run_scoped3A : memref<!tpu.dma_semaphore, #tpu.memory_space<semaphore_mem>>)
      %dma_wait3A = arith.constant 0 : i32
      %dma_wait3A_205 = tpu.memref_slice %arg3[%add3A_186, %dma_wait3A] : memref<9216x1024xf32, #tpu.memory_space<hbm>> -> memref<48x1024xf32, #tpu.memory_space<hbm>>
      %dma_wait3A_206 = arith.constant 0 : i32
      %dma_wait3A_207 = tpu.memref_slice %arg3[%add3A_186, %dma_wait3A_206] : memref<9216x1024xf32, #tpu.memory_space<hbm>> -> memref<48x1024xf32, #tpu.memory_space<hbm>>
      tpu.wait_dma2 semaphore(%run_scoped3A : memref<!tpu.dma_semaphore, #tpu.memory_space<semaphore_mem>>) src(%arg5 : memref<48x1024xf32, #tpu.memory_space<vmem>>) dst(%dma_wait3A_207 : memref<48x1024xf32, #tpu.memory_space<hbm>>)
      tpu.yield
    }) : () -> ()
    %get3A_187 = arith.constant 240 : index
    %get3A_188 = tpu.vector_load %arg4[%get3A_187] {strides = array<i32>} : memref<288xi32, #tpu.memory_space<vmem>>, vector<16xi32>,
    %add3A_189 = arith.constant 0 : i32
    %add3A_190 = vector.broadcast %add3A_189 : i32 to vector<16xi32>
    %add3A_191 = arith.addi %iota3A, %add3A_190 : vector<16xi32>
    tpu.vector_store_idx %arg5[%add3A_191, %get3A_188], %broadcast_in_dim3A_3 : memref<48x1024xf32, #tpu.memory_space<vmem>>[vector<16xi32>, vector<16xi32>], vector<16xf32>,
    %get3A_192 = arith.constant 256 : index
    %get3A_193 = tpu.vector_load %arg4[%get3A_192] {strides = array<i32>} : memref<288xi32, #tpu.memory_space<vmem>>, vector<16xi32>,
    %add3A_194 = arith.constant 16 : i32
    %add3A_195 = vector.broadcast %add3A_194 : i32 to vector<16xi32>
    %add3A_196 = arith.addi %iota3A, %add3A_195 : vector<16xi32>
    tpu.vector_store_idx %arg5[%add3A_196, %get3A_193], %broadcast_in_dim3A_3 : memref<48x1024xf32, #tpu.memory_space<vmem>>[vector<16xi32>, vector<16xi32>], vector<16xf32>,
    %get3A_197 = arith.constant 272 : index
    %get3A_198 = tpu.vector_load %arg4[%get3A_197] {strides = array<i32>} : memref<288xi32, #tpu.memory_space<vmem>>, vector<16xi32>,
    %add3A_199 = arith.constant 32 : i32
    %add3A_200 = vector.broadcast %add3A_199 : i32 to vector<16xi32>
    %add3A_201 = arith.addi %iota3A, %add3A_200 : vector<16xi32>
    tpu.vector_store_idx %arg5[%add3A_201, %get3A_198], %broadcast_in_dim3A_3 : memref<48x1024xf32, #tpu.memory_space<vmem>>[vector<16xi32>, vector<16xi32>], vector<16xf32>,
    return
  }
}

module attributes {stable_mosaic.version = 14 : i64} {
  func.func @_tc_body(%arg0: i32, %arg1: memref<1x64x576xf32, #tpu.memory_space<vmem>>, %arg2: memref<64x1024xf32, #tpu.memory_space<vmem>>, %arg3: memref<1x64x576xf32, #tpu.memory_space<vmem>>, %arg4: memref<1x1xf32, #tpu.memory_space<smem>>, %arg5: memref<1x1xf32, #tpu.memory_space<smem>>, %arg6: memref<1x1x576xi32, #tpu.memory_space<vmem>>, %arg7: memref<1x1024xf32, #tpu.memory_space<vmem>>, %arg8: memref<1xf32, #tpu.memory_space<smem>>, %arg9: memref<1x1024xf32, #tpu.memory_space<vmem>>, %arg10: memref<576x1024xf32, #tpu.memory_space<vmem>>) attributes {dimension_semantics = [#tpu.dimension_semantics<arbitrary>], iteration_bounds = array<i64: 16>, scalar_prefetch = 0 : i64, scratch_operands = 4 : i64, tpu.core_type = #tpu.core_type<tc>, window_params = [{transform_indices = @transform_0, window_bounds = array<i64: 1, 64, 576>}, {pipeline_mode = #tpu.pipeline_mode<synchronous>, transform_indices = @transform_1, window_bounds = array<i64: 64, 1024>}, {transform_indices = @transform_2, window_bounds = array<i64: 1, 64, 576>}, {transform_indices = @transform_3, window_bounds = array<i64: 1, 1>}, {transform_indices = @transform_4, window_bounds = array<i64: 1, 1>}, {transform_indices = @transform_5, window_bounds = array<i64: 1, 1, 576>}]} {
    %get3A = arith.constant 0 : index
    %get3A_0 = arith.constant 0 : index
    %get3A_1 = arith.constant 0 : index
    %get3A_2 = vector.load %arg1[%get3A, %get3A_0, %get3A_1] : memref<1x64x576xf32, #tpu.memory_space<vmem>>, vector<1x64x576xf32>
    %reshape3A = vector.shape_cast %get3A_2 : vector<1x64x576xf32> to vector<64x576xf32>
    %get3A_3 = arith.constant 0 : index
    %get3A_4 = arith.constant 0 : index
    %get3A_5 = vector.load %arg2[%get3A_3, %get3A_4] : memref<64x1024xf32, #tpu.memory_space<vmem>>, vector<64x1024xf32>
    %eq3A = arith.constant 0 : i32
    %eq3A_6 = arith.cmpi eq, %arg0, %eq3A : i32
    %convert_element_type3A = arith.extui %eq3A_6 : i1 to i32
    %cond3A = arith.constant 0 : i32
    %cond3A_7 = arith.cmpi ne, %convert_element_type3A, %cond3A : i32
    scf.if %cond3A_7 {
      %mul3A_73 = arith.mulf %get3A_5, %get3A_5 : vector<64x1024xf32>
      %reduce_sum3A_74 = arith.constant dense<0.000000e+00> : vector<1024xf32>
      %reduce_sum3A_75 = vector.multi_reduction <add>, %mul3A_73, %reduce_sum3A_74 [0] : vector<64x1024xf32> to vector<1024xf32>
      %broadcast_in_dim3A_76 = vector.shape_cast %reduce_sum3A_75 : vector<1024xf32> to vector<1x1024xf32>
      %swap3A_77 = arith.constant 0 : index
      %swap3A_78 = arith.constant 0 : index
      %swap3A_79 = vector.load %arg9[%swap3A_77, %swap3A_78] : memref<1x1024xf32, #tpu.memory_space<vmem>>, vector<1x1024xf32>
      tpu.vector_store %arg9[%swap3A_77, %swap3A_78], %broadcast_in_dim3A_76 {strides = array<i32>} : memref<1x1024xf32, #tpu.memory_space<vmem>>, vector<1x1024xf32>,
      %iota3A = tpu.iota {dimensions = array<i32: 1>} : vector<576x1024xi32>
      %convert_element_type3A_80 = arith.sitofp %iota3A : vector<576x1024xi32> to vector<576x1024xf32>
      %swap3A_81 = arith.constant 0 : index
      %swap3A_82 = arith.constant 0 : index
      %swap3A_83 = vector.load %arg10[%swap3A_81, %swap3A_82] : memref<576x1024xf32, #tpu.memory_space<vmem>>, vector<576x1024xf32>
      tpu.vector_store %arg10[%swap3A_81, %swap3A_82], %convert_element_type3A_80 {strides = array<i32>} : memref<576x1024xf32, #tpu.memory_space<vmem>>, vector<576x1024xf32>,
    } else {
    }
    %mul3A = arith.mulf %reshape3A, %reshape3A : vector<64x576xf32>
    %reduce_sum3A = arith.constant dense<0.000000e+00> : vector<576xf32>
    %reduce_sum3A_8 = vector.multi_reduction <add>, %mul3A, %reduce_sum3A [0] : vector<64x576xf32> to vector<576xf32>
    %broadcast_in_dim3A = vector.shape_cast %reduce_sum3A_8 : vector<576xf32> to vector<1x576xf32>
    %reshape3A_9 = vector.shape_cast %broadcast_in_dim3A : vector<1x576xf32> to vector<576x1xf32>
    %mul3A_10 = arith.constant -2.000000e+00 : f32
    %mul3A_11 = vector.broadcast %mul3A_10 : f32 to vector<64x576xf32>
    %mul3A_12 = arith.mulf %reshape3A, %mul3A_11 : vector<64x576xf32>
    %dot_general3A = arith.constant dense<0.000000e+00> : vector<576x1024xf32>
    %dot_general3A_13 = tpu.matmul %mul3A_12, %get3A_5, %dot_general3A {dimension_numbers = #tpu.dot_dimension_numbers<[0], [0], [1], [1], [0, 1, 1, 1], [], []>, transpose_lhs_hint = false} : vector<64x576xf32>, vector<64x1024xf32>, vector<576x1024xf32> -> vector<576x1024xf32>
    %get3A_14 = arith.constant 0 : index
    %get3A_15 = arith.constant 0 : index
    %get3A_16 = vector.load %arg9[%get3A_14, %get3A_15] : memref<1x1024xf32, #tpu.memory_space<vmem>>, vector<1x1024xf32>
    %add3A = vector.broadcast %reshape3A_9 : vector<576x1xf32> to vector<576x1024xf32>
    %add3A_17 = vector.broadcast %get3A_16 : vector<1x1024xf32> to vector<576x1024xf32>
    %add3A_18 = arith.addf %add3A, %add3A_17 : vector<576x1024xf32>
    %add3A_19 = arith.addf %add3A_18, %dot_general3A_13 : vector<576x1024xf32>
    %reduce_min3A = arith.constant dense<0x7F800000> : vector<576xf32>
    %reduce_min3A_20 = vector.multi_reduction <minimumf>, %add3A_19, %reduce_min3A [1] : vector<576x1024xf32> to vector<576xf32>
    %broadcast_in_dim3A_21 = vector.shape_cast %reduce_min3A_20 : vector<576xf32> to vector<576x1xf32>
    %get3A_22 = arith.constant 0 : index
    %get3A_23 = arith.constant 0 : index
    %get3A_24 = vector.load %arg10[%get3A_22, %get3A_23] : memref<576x1024xf32, #tpu.memory_space<vmem>>, vector<576x1024xf32>
    %eq3A_25 = vector.broadcast %broadcast_in_dim3A_21 : vector<576x1xf32> to vector<576x1024xf32>
    %eq3A_26 = arith.cmpf oeq, %add3A_19, %eq3A_25 : vector<576x1024xf32>
    %jit3A = arith.constant 1.024000e+03 : f32
    %broadcast_in_dim3A_27 = vector.broadcast %jit3A : f32 to vector<576x1024xf32>
    %select_n3A = arith.select %eq3A_26, %get3A_24, %broadcast_in_dim3A_27 : vector<576x1024xi1>, vector<576x1024xf32>
    %reduce_min3A_28 = arith.constant dense<0x7F800000> : vector<576xf32>
    %reduce_min3A_29 = vector.multi_reduction <minimumf>, %select_n3A, %reduce_min3A_28 [1] : vector<576x1024xf32> to vector<576xf32>
    %broadcast_in_dim3A_30 = vector.shape_cast %reduce_min3A_29 : vector<576xf32> to vector<576x1xf32>
    %reshape3A_31 = vector.shape_cast %broadcast_in_dim3A_30 : vector<576x1xf32> to vector<1x1x576xf32>
    %convert_element_type3A_32 = arith.fptosi %reshape3A_31 : vector<1x1x576xf32> to vector<1x1x576xi32>
    %swap3A = arith.constant 0 : index
    %swap3A_33 = arith.constant 0 : index
    %swap3A_34 = arith.constant 0 : index
    %swap3A_35 = vector.load %arg6[%swap3A, %swap3A_33, %swap3A_34] : memref<1x1x576xi32, #tpu.memory_space<vmem>>, vector<1x1x576xi32>
    tpu.vector_store %arg6[%swap3A, %swap3A_33, %swap3A_34], %convert_element_type3A_32 {strides = array<i32>} : memref<1x1x576xi32, #tpu.memory_space<vmem>>, vector<1x1x576xi32>,
    %eq3A_36 = vector.broadcast %broadcast_in_dim3A_30 : vector<576x1xf32> to vector<576x1024xf32>
    %eq3A_37 = arith.cmpf oeq, %get3A_24, %eq3A_36 : vector<576x1024xf32>
    %convert_element_type3A_38 = arith.extui %eq3A_37 : vector<576x1024xi1> to vector<576x1024xi32>
    %convert_element_type3A_39 = arith.sitofp %convert_element_type3A_38 : vector<576x1024xi32> to vector<576x1024xf32>
    %dot_general3A_40 = arith.constant dense<0.000000e+00> : vector<64x576xf32>
    %dot_general3A_41 = tpu.matmul %get3A_5, %convert_element_type3A_39, %dot_general3A_40 {dimension_numbers = #tpu.dot_dimension_numbers<[1], [1], [0], [0], [0, 0, 1, 0], [], []>, transpose_lhs_hint = false} : vector<64x1024xf32>, vector<576x1024xf32>, vector<64x576xf32> -> vector<64x576xf32>
    %sub3A = arith.subf %dot_general3A_41, %reshape3A : vector<64x576xf32>
    %add3A_42 = arith.addf %reshape3A, %sub3A : vector<64x576xf32>
    %reshape3A_43 = vector.shape_cast %add3A_42 : vector<64x576xf32> to vector<1x64x576xf32>
    %swap3A_44 = arith.constant 0 : index
    %swap3A_45 = arith.constant 0 : index
    %swap3A_46 = arith.constant 0 : index
    %swap3A_47 = vector.load %arg3[%swap3A_44, %swap3A_45, %swap3A_46] : memref<1x64x576xf32, #tpu.memory_space<vmem>>, vector<1x64x576xf32>
    tpu.vector_store %arg3[%swap3A_44, %swap3A_45, %swap3A_46], %reshape3A_43 {strides = array<i32>} : memref<1x64x576xf32, #tpu.memory_space<vmem>>, vector<1x64x576xf32>,
    %sub3A_48 = arith.subf %dot_general3A_41, %reshape3A : vector<64x576xf32>
    %sub3A_49 = arith.subf %dot_general3A_41, %reshape3A : vector<64x576xf32>
    %mul3A_50 = arith.mulf %sub3A_48, %sub3A_49 : vector<64x576xf32>
    %reduce_sum3A_51 = vector.shape_cast %mul3A_50 : vector<64x576xf32> to vector<1x64x576xf32>
    %reduce_sum3A_52 = arith.constant dense<0.000000e+00> : vector<1xf32>
    %reduce_sum3A_53 = vector.multi_reduction <add>, %reduce_sum3A_51, %reduce_sum3A_52 [1, 2] : vector<1x64x576xf32> to vector<1xf32>
    %reduce_sum3A_54 = vector.shape_cast %reduce_sum3A_53 : vector<1xf32> to vector<1x1x1xf32>
    %reduce_sum3A_55 = vector.extract %reduce_sum3A_54[0, 0, 0] : f32 from vector<1x1x1xf32>
    %reduce_sum3A_56 = arith.constant dense<0.000000e+00> : vector<1024xf32>
    %reduce_sum3A_57 = vector.multi_reduction <add>, %convert_element_type3A_39, %reduce_sum3A_56 [0] : vector<576x1024xf32> to vector<1024xf32>
    %broadcast_in_dim3A_58 = vector.shape_cast %reduce_sum3A_57 : vector<1024xf32> to vector<1x1024xf32>
    %eq3A_59 = arith.constant 0 : i32
    %eq3A_60 = arith.cmpi eq, %arg0, %eq3A_59 : i32
    %convert_element_type3A_61 = arith.extui %eq3A_60 : i1 to i32
    %cond3A_62 = arith.constant 0 : i32
    %cond3A_63 = arith.cmpi ne, %convert_element_type3A_61, %cond3A_62 : i32
    scf.if %cond3A_63 {
      %swap3A_73 = arith.constant 0 : index
      %swap3A_74 = memref.load %arg8[%swap3A_73] : memref<1xf32, #tpu.memory_space<smem>>
      memref.store %reduce_sum3A_55, %arg8[%swap3A_73] : memref<1xf32, #tpu.memory_space<smem>>
      %swap3A_75 = arith.constant 0 : index
      %swap3A_76 = arith.constant 0 : index
      %swap3A_77 = vector.load %arg7[%swap3A_75, %swap3A_76] : memref<1x1024xf32, #tpu.memory_space<vmem>>, vector<1x1024xf32>
      tpu.vector_store %arg7[%swap3A_75, %swap3A_76], %broadcast_in_dim3A_58 {strides = array<i32>} : memref<1x1024xf32, #tpu.memory_space<vmem>>, vector<1x1024xf32>,
    } else {
    }
    %gt3A = arith.constant 0 : i32
    %gt3A_64 = arith.cmpi sgt, %arg0, %gt3A : i32
    %convert_element_type3A_65 = arith.extui %gt3A_64 : i1 to i32
    %cond3A_66 = arith.constant 0 : i32
    %cond3A_67 = arith.cmpi ne, %convert_element_type3A_65, %cond3A_66 : i32
    scf.if %cond3A_67 {
      %get3A_73 = arith.constant 0 : index
      %get3A_74 = memref.load %arg8[%get3A_73] : memref<1xf32, #tpu.memory_space<smem>>
      %add3A_75 = arith.addf %get3A_74, %reduce_sum3A_55 : f32
      %swap3A_76 = arith.constant 0 : index
      %swap3A_77 = memref.load %arg8[%swap3A_76] : memref<1xf32, #tpu.memory_space<smem>>
      memref.store %add3A_75, %arg8[%swap3A_76] : memref<1xf32, #tpu.memory_space<smem>>
      %get3A_78 = arith.constant 0 : index
      %get3A_79 = arith.constant 0 : index
      %get3A_80 = vector.load %arg7[%get3A_78, %get3A_79] : memref<1x1024xf32, #tpu.memory_space<vmem>>, vector<1x1024xf32>
      %add3A_81 = arith.addf %get3A_80, %broadcast_in_dim3A_58 : vector<1x1024xf32>
      %swap3A_82 = arith.constant 0 : index
      %swap3A_83 = arith.constant 0 : index
      %swap3A_84 = vector.load %arg7[%swap3A_82, %swap3A_83] : memref<1x1024xf32, #tpu.memory_space<vmem>>, vector<1x1024xf32>
      tpu.vector_store %arg7[%swap3A_82, %swap3A_83], %add3A_81 {strides = array<i32>} : memref<1x1024xf32, #tpu.memory_space<vmem>>, vector<1x1024xf32>,
    } else {
    }
    %eq3A_68 = arith.constant 15 : i32
    %eq3A_69 = arith.cmpi eq, %arg0, %eq3A_68 : i32
    %convert_element_type3A_70 = arith.extui %eq3A_69 : i1 to i32
    %cond3A_71 = arith.constant 0 : i32
    %cond3A_72 = arith.cmpi ne, %convert_element_type3A_70, %cond3A_71 : i32
    scf.if %cond3A_72 {
      %get3A_73 = arith.constant 0 : index
      %get3A_74 = memref.load %arg8[%get3A_73] : memref<1xf32, #tpu.memory_space<smem>>
      %div3A = arith.constant 5.898240e+05 : f32
      %div3A_75 = arith.divf %get3A_74, %div3A : f32
      %mul3A_76 = arith.constant 2.500000e-01 : f32
      %mul3A_77 = arith.mulf %mul3A_76, %div3A_75 : f32
      %add3A_78 = arith.addf %div3A_75, %mul3A_77 : f32
      %swap3A_79 = arith.constant 0 : index
      %swap3A_80 = arith.constant 0 : index
      %swap3A_81 = memref.load %arg4[%swap3A_79, %swap3A_80] : memref<1x1xf32, #tpu.memory_space<smem>>
      memref.store %add3A_78, %arg4[%swap3A_79, %swap3A_80] : memref<1x1xf32, #tpu.memory_space<smem>>
      %get3A_82 = arith.constant 0 : index
      %get3A_83 = arith.constant 0 : index
      %get3A_84 = vector.load %arg7[%get3A_82, %get3A_83] : memref<1x1024xf32, #tpu.memory_space<vmem>>, vector<1x1024xf32>
      %div3A_85 = arith.constant 9.216000e+03 : f32
      %div3A_86 = vector.broadcast %div3A_85 : f32 to vector<1x1024xf32>
      %div3A_87 = arith.divf %get3A_84, %div3A_86 : vector<1x1024xf32>
      %add3A_88 = arith.constant 1.000000e-10 : f32
      %add3A_89 = vector.broadcast %add3A_88 : f32 to vector<1x1024xf32>
      %add3A_90 = arith.addf %div3A_87, %add3A_89 : vector<1x1024xf32>
      %log3A = math.log %add3A_90 : vector<1x1024xf32>
      %mul3A_91 = arith.mulf %div3A_87, %log3A : vector<1x1024xf32>
      %reduce_sum3A_92 = vector.shape_cast %mul3A_91 : vector<1x1024xf32> to vector<1x1x1024xf32>
      %reduce_sum3A_93 = arith.constant dense<0.000000e+00> : vector<1xf32>
      %reduce_sum3A_94 = vector.multi_reduction <add>, %reduce_sum3A_92, %reduce_sum3A_93 [1, 2] : vector<1x1x1024xf32> to vector<1xf32>
      %reduce_sum3A_95 = vector.shape_cast %reduce_sum3A_94 : vector<1xf32> to vector<1x1x1xf32>
      %reduce_sum3A_96 = vector.extract %reduce_sum3A_95[0, 0, 0] : f32 from vector<1x1x1xf32>
      %neg3A = arith.constant 0.000000e+00 : f32
      %neg3A_97 = arith.subf %neg3A, %reduce_sum3A_96 : f32
      %exp3A = math.exp %neg3A_97 : f32
      %swap3A_98 = arith.constant 0 : index
      %swap3A_99 = arith.constant 0 : index
      %swap3A_100 = memref.load %arg5[%swap3A_98, %swap3A_99] : memref<1x1xf32, #tpu.memory_space<smem>>
      memref.store %exp3A, %arg5[%swap3A_98, %swap3A_99] : memref<1x1xf32, #tpu.memory_space<smem>>
    } else {
    }
    return
  }
  func.func @transform_0(%arg0: i32) -> (i32, i32, i32) {
    %c0_i32 = arith.constant 0 : i32
    %c0_i32_0 = arith.constant 0 : i32
    %c0_i32_1 = arith.constant 0 : i32
    return %arg0, %c0_i32, %c0_i32_0 : i32, i32, i32
  }
  func.func @transform_1(%arg0: i32) -> (i32, i32) {
    %c0_i32 = arith.constant 0 : i32
    %c0_i32_0 = arith.constant 0 : i32
    %c0_i32_1 = arith.constant 0 : i32
    return %c0_i32, %c0_i32_0 : i32, i32
  }
  func.func @transform_2(%arg0: i32) -> (i32, i32, i32) {
    %c0_i32 = arith.constant 0 : i32
    %c0_i32_0 = arith.constant 0 : i32
    %c0_i32_1 = arith.constant 0 : i32
    return %arg0, %c0_i32, %c0_i32_0 : i32, i32, i32
  }
  func.func @transform_3(%arg0: i32) -> (i32, i32) {
    %c0_i32 = arith.constant 0 : i32
    %c0_i32_0 = arith.constant 0 : i32
    %c0_i32_1 = arith.constant 0 : i32
    return %c0_i32, %c0_i32_0 : i32, i32
  }
  func.func @transform_4(%arg0: i32) -> (i32, i32) {
    %c0_i32 = arith.constant 0 : i32
    %c0_i32_0 = arith.constant 0 : i32
    %c0_i32_1 = arith.constant 0 : i32
    return %c0_i32, %c0_i32_0 : i32, i32
  }
  func.func @transform_5(%arg0: i32) -> (i32, i32, i32) {
    %c0_i32 = arith.constant 0 : i32
    %c0_i32_0 = arith.constant 0 : i32
    %c0_i32_1 = arith.constant 0 : i32
    return %arg0, %c0_i32, %c0_i32_0 : i32, i32, i32
  }
}

</mosaic_0001>

<sc_bundles>
// kernel: kernel.4.cloned.1.call-start
scs
__scs_entry_jumppad:
0x0: {  	(pc) =	sbr.rel $0x88, $3  }
0x1: {  	(tag) =	ssettag $0x0;
	lr =	simm.s32 $0x1  }
0x2: {  	[smem:$0x3F9F] =	sst lr;
	_ =	strace $0xD0000000  }
0x3: {  	_ = 	snop  }
0x4: {  	_ = 	snop  }
0x5: {  	_ = 	snop  }
0x6: {  	_ = 	snop  }
0x7: {  	_ = 	snop  }
__scs_overlays_trampoline_lowered:
0x8: {  	[smem:$0x3FAE] =	sst s0  }
0x9: {  	[smem:$0x3FAF] =	sst s1  }
0xa: {  	[smem:$0x3FB0] =	sst s2  }
0xb: {  	[smem:$0x3FB1] =	sst s3  }
0xc: {  	[smem:$0x3FB2] =	sst s4  }
0xd: {  	[smem:$0x3FB3] =	sst s5  }
0xe: {  	[smem:$0x3FB4] =	sst s6  }
0xf: {  	[smem:$0x3FB5] =	sst s7  }
0x10: {  	[smem:$0x3FB6] =	sst s8  }
0x11: {  	[smem:$0x3FB7] =	sst s9;
	s0 =	simm.s32 @!p0 $0x0  }
0x12: {  	s1 =	sld [smem:$0x3F9D];
	s0 =	simm.s32 @p0 $0x1  }
0x13: {  	[smem:$0x3FB8] =	sst s0;
	s0 =	simm.s32 @!p1 $0x0  }
0x14: {  	s2 =	sld [smem:$0x3F9C];
	s0 =	simm.s32 @p1 $0x1  }
0x15: {  	[smem:$0x3FB9] =	sst s0;
	s0 =	simm.s32 @!p2 $0x0  }
0x16: {  	s3 =	sld [smem:$0x3FDB];
	s0 =	simm.s32 @p2 $0x1  }
0x17: {  	s4 =	simm.s32 $0x1BF5;
	[smem:$0x3FBB] =	sst s0  }
0x18: {  	s0 =	sld [smem:$0x3F9E];
	_ =	swait.ge [sflag:s4], $0x0  }
0x19: {  	s7 =	sld [smem:$0x3F9F]  }
0x1a: {  	s8 =	sadd.s32 $0xFFFFE003, lr  }
0x1b: {  	s9 =	sadd.s32 $0xFFFFFEF7, lr;
	s5 =	simm.s32 $0xFFFFFFFF;
	p2 =	slt.u32 s8, $0xFFFFF086  }
0x1c: {  	p1 =	slt.u32 s9, $0xF7A;
	s5 =	simm.s32 @!p2 $0x0  }
0x1d: {  	s5 =	simm.s32 @p1 $0x1;
	p0 =	seq.s32 s7, s2  }
0x1e: {  	s7 =	smul.u32 @!p0 $0xF7A, s2;
	p2 =	seq.s32 @!p0 s5, $0x0  }
0x1f: {  	s9 =	smul.u32 $0xF7A, s1;
	s8 =	simm.s32 @!p0 $0x1BF5;
	p2 =	por !p2, p0  }
0x20: {  	[sflag:s8] =	ssyncset.s32 @!p0 $0xFFFFF086;
	s6 =	sadd.s32 @!p0 s3, s7;
	s7 =	simm.s32 @!p0 $0x108  }
0x21: {  	s3 =	sadd.s32 s3, s9;
	s6 =	sadd.s32 @!p0 $0x88, s6;
	s7 =	simm.s32 @p2 $0x1082  }
0x22: {  	[simem:s7], [sflag:s8] =	dma.local @!p0 [hbm:s6], $0xF7A  }
0x23: {  	s9 =	sor.u32 $0xD0000000, s2;
	s6 =	simm.s32 $0x108;
	_ =	swait.ge @!p0 [sflag:s8], $0x0  }
0x24: {  	s3 =	sadd.s32 $0x88, s3;
	s6 =	simm.s32 @!p1 $0x1082;
	[sflag:s4] =	ssyncset.s32 $0xFFFFF086  }
0x25: {  	[simem:s6], [sflag:s4] =	dma.local [hbm:s3], $0xF7A  }
0x26: {  	[smem:$0x3F9F] =	sst s1;
	(tag) =	ssettag s2;
	_ =	strace s9  }
0x27: {  	s1 =	sld [smem:$0x3FAF]  }
0x28: {  	s2 =	sld [smem:$0x3FB0]  }
0x29: {  	s4 =	sld [smem:$0x3FB2]  }
0x2a: {  	p0 =	seq.s32 s5, $0x0;
	s5 =	sld [smem:$0x3FB3]  }
0x2b: {  	s6 =	sld [smem:$0x3FB4]  }
0x2c: {  	s7 =	sld [smem:$0x3FB5]  }
0x2d: {  	s3 =	simm.s32 $0x108;
	s8 =	sld [smem:$0x3FB6]  }
0x2e: {  	s3 =	simm.s32 @!p0 $0x1082;
	s9 =	sld [smem:$0x3FB7]  }
0x2f: {  	lr =	sadd.s32 s0, s3;
	s0 =	sld [smem:$0x3FAE]  }
0x30: {  	s3 =	sld [smem:$0x3FB1]  }
0x31: {  	[smem:$0x3FBA] =	sst s10  }
0x32: {  	s10 =	sld [smem:$0x3FB8];
	_ =	sdelay $0x3  }
0x33: {  	p0 =	seq.s32 s10, $0x1;
	s10 =	sld [smem:$0x3FBA];
	_ =	sdelay $0x3  }
0x34: {  	[smem:$0x3FBA] =	sst s10  }
0x35: {  	s10 =	sld [smem:$0x3FB9];
	_ =	sdelay $0x3  }
0x36: {  	p1 =	seq.s32 s10, $0x1;
	s10 =	sld [smem:$0x3FBA];
	_ =	sdelay $0x3  }
0x37: {  	[smem:$0x3FBA] =	sst s10  }
0x38: {  	s10 =	sld [smem:$0x3FBB]  }
0x39: {  	_ = 	snop;
	(pc) =	sbr.ind lr, $3  }
0x3a: {  	_ = 	snop  }
0x3b: {  	_ = 	snop  }
0x3c: {  	p2 =	seq.s32 s10, $0x1;
	s10 =	sld [smem:$0x3FBA]  }
0x3d: {  	_ =	shalt  }
0x3e: {  	_ =	shalt  }
0x3f: {  	_ =	shalt  }
0x40: {  	_ =	shalt  }
0x41: {  	_ =	shalt  }
0x42: {  	_ =	shalt  }
0x43: {  	_ =	shalt  }
0x44: {  	_ =	shalt  }
0x45: {  	_ =	shalt  }
0x46: {  	_ =	shalt  }
0x47: {  	_ =	shalt  }
0x48: {  	_ =	shalt  }
0x49: {  	_ =	shalt  }
0x4a: {  	_ =	shalt  }
0x4b: {  	_ =	shalt  }
0x4c: {  	_ =	shalt  }
0x4d: {  	_ =	shalt  }
0x4e: {  	_ =	shalt  }
0x4f: {  	_ =	shalt  }
0x50: {  	_ =	shalt  }
0x51: {  	_ =	shalt  }
0x52: {  	_ =	shalt  }
0x53: {  	_ =	shalt  }
0x54: {  	_ =	shalt  }
0x55: {  	_ =	shalt  }
0x56: {  	_ =	shalt  }
0x57: {  	_ =	shalt  }
0x58: {  	_ =	shalt  }
0x59: {  	_ =	shalt  }
0x5a: {  	_ =	shalt  }
0x5b: {  	_ =	shalt  }
0x5c: {  	_ =	shalt  }
0x5d: {  	_ =	shalt  }
0x5e: {  	_ =	shalt  }
0x5f: {  	_ =	shalt  }
0x60: {  	_ =	shalt  }
0x61: {  	_ =	shalt  }
0x62: {  	_ =	shalt  }
0x63: {  	_ =	shalt  }
0x64: {  	_ =	shalt  }
0x65: {  	_ =	shalt  }
0x66: {  	_ =	shalt  }
0x67: {  	_ =	shalt  }
0x68: {  	_ =	shalt  }
0x69: {  	_ =	shalt  }
0x6a: {  	_ =	shalt  }
0x6b: {  	_ =	shalt  }
0x6c: {  	_ =	shalt  }
0x6d: {  	_ =	shalt  }
0x6e: {  	_ =	shalt  }
0x6f: {  	_ =	shalt  }
0x70: {  	_ =	shalt  }
0x71: {  	_ =	shalt  }
0x72: {  	_ =	shalt  }
0x73: {  	_ =	shalt  }
0x74: {  	_ =	shalt  }
0x75: {  	_ =	shalt  }
0x76: {  	_ =	shalt  }
0x77: {  	_ =	shalt  }
0x78: {  	_ =	shalt  }
0x79: {  	_ =	shalt  }
0x7a: {  	_ =	shalt  }
0x7b: {  	_ =	shalt  }
0x7c: {  	_ =	shalt  }
0x7d: {  	_ =	shalt  }
0x7e: {  	_ =	shalt  }
0x7f: {  	_ =	shalt  }
0x80: {  	_ =	shalt  }
0x81: {  	_ =	shalt  }
0x82: {  	_ =	shalt  }
0x83: {  	_ =	shalt  }
0x84: {  	_ =	shalt  }
0x85: {  	_ =	shalt  }
0x86: {  	_ =	shalt  }
0x87: {  	_ =	shalt  }
.Lfunc_end0:
.L_simem_size_0:
called_computation_lowered:
.L_overlay_start_0:
0x88: {  	s2 =	sld [smem:$0x3FD9]  }
0x89: {  	s3 =	sld [smem:$0x3FFE];
	_ =	sdelay $0x1  }
0x8a: {  	s1 =	srdreg.scid  }
0x8b: {  	s0 =	sand.u32 $0x1, s1  }
0x8c: {  	s14 =	sshll.u32 s0, $0xA;
	s2 =	sadd.s32 s3, s2  }
0x8d: {  	s2 =	sadd.s32 s2, s14  }
0x8e: {  	[smem:$0x3FC6] =	sst s2  }
0x8f: {  	_ = 	snop  }
0x90: {  	s2 =	sld [smem:$0x3FD0];
	_ =	sdelay $0x2  }
0x91: {  	s15 =	simm.s32 $0xA;
	s4 =	simm.s32 $0x10  }
0x92: {  	[smem:s4], [sflag:s15] =	dma.local [hbm:s2], $0x1  }
0x93: {  	_ =	swait.eq [sflag:s15], $0x1  }
0x94: {  	[sflag:s15] =	ssyncset.done $0x0  }
0x95: {  	[sflag:s15] =	ssyncadd.s32 $0xFFFFFFFF  }
0x96: {  	s16 =	sld [smem:$0x13];
	(tm) =	ssettm $0x1  }
0x97: {  	s17 =	sld [smem:$0x3FFB];
	_ =	sdelay $0x3  }
0x98: {  	_ =	strace s17  }
0x99: {  	s3 =	sld [smem:$0x3FFC];
	_ =	sdelay $0x3  }
0x9a: {  	_ =	strace s3  }
0x9b: {  	s3 =	sld [smem:$0x3FFD];
	_ =	sdelay $0x3  }
0x9c: {  	_ =	strace s3  }
0x9d: {  	_ =	strace $0x8FFFFFFF  }
0x9e: {  	s18 =	sld [smem:$0x3FDB];
	_ =	sdelay $0x1  }
0x9f: {  	s19 =	simm.s32 $_scs_section_size  }
0xa0: {  	s5 =	simm.s32 $_size__tile_overlayer_lowered;
	s6 =	simm.s32 $_tile_overlayer_lowered  }
0xa1: {  	s22 =	simm.s32 $0x1BFF;
	s21 =	sshll.u32 s6, $0x1;
	s3 =	sadd.s32 s19, s18  }
0xa2: {  	s7 =	simm.s32 $0x0;
	s20 =	sshll.u32 s5, $0x1;
	s5 =	sadd.s32 s21, s3  }
0xa3: {  	[timem:s7], [sflag:s22] =	dma.local [hbm:s5], s20  }
0xa4: {  	_ =	swait.ge [sflag:s22], s20  }
0xa5: {  	s4 =	ssub.s32 $0x0, s20;
	[sflag:s22] =	ssyncset.done $0x0  }
0xa6: {  	[sflag:s22] =	ssyncadd.s32 s4;
	_ =	sdelay $0x1  }
0xa7: {  	s23 =	simm.s32 $0x1B8B  }
0xa8: {  	_ =	swait.ge [sflag:s23], $0x1  }
0xa9: {  	[sflag:s23] =	ssyncset.done $0x0  }
0xaa: {  	s25 =	simm.s32 $0x1B8E;
	s24 =	sld [smem:$0x3FFE];
	[sflag:s23] =	ssyncadd.s32 $0xFFFFFFFF  }
0xab: {  	s26 =	simm.s32 $execute0_lowered;
	[smem:$0x3FD2] =	sst s25  }
0xac: {  	s5 =	sshll.u32 s26, $0x1;
	_ =	strace $0x80000046;
	[dreg:$0x1] =	wrdreg $0xFFFFFFFF  }
0xad: {  	s28 =	simm.s32 $_size_execute0_lowered;
	s3 =	sadd.s32 s3, s5;
	[dreg:$0x0] =	wrdreg $0x0  }
0xae: {  	s5 =	sshll.u32 s28, $0x1;
	[dreg:$0x2] =	wrdreg s3  }
0xaf: {  	[dreg:$0x3] =	wrdreg s5  }
0xb0: {  	[dreg:$0x4] =	wrdreg $0xC0  }
0xb1: {  	_ =	task [dreg:s7], $0x5FFFF  }
0xb2: {  	[dreg:$0x1] =	wrdreg $0xFFFFFFFF  }
0xb3: {  	[dreg:$0x0] =	wrdreg $0x60  }
0xb4: {  	[dreg:$0x2] =	wrdreg s24  }
0xb5: {  	[dreg:$0x3] =	wrdreg s16  }
0xb6: {  	[dreg:$0x4] =	wrdreg $0x9  }
0xb7: {  	_ =	task.clear_ibuf [dreg:s7], $0x5FFFF;
	_ =	strace $0x90000046  }
0xb8: {  	s29 =	simm.s32 $0x9;
	_ =	strace $0x80000048  }
0xb9: {  	_ =	swait.ge [sflag:s29], $0x1  }
0xba: {  	[sflag:s29] =	ssyncadd.s32 $0xFFFFFFFF  }
0xbb: {  	_ =	strace $0x90000048  }
0xbc: {  	_ =	sfence  }
0xbd: {  	s30 =	sld [smem:$0x0];
	_ =	sdelay $0x2  }
0xbe: {  	s31 =	sshll.u32 s1, $0xD;
	s1 =	sshrl.u32 s1, $0x2  }
0xbf: {  	s3 =	sand.u32 $0x4000, s31;
	s1 =	sadd.s32 s1, s30  }
0xc0: {  	s0 =	sor.u32 s3, s0;
	s1 =	sshll.u32 s1, $0x11  }
0xc1: {  	s0 =	sor.u32 s1, s0  }
0xc2: {  	s0 =	sadd.s32 $0x8F2B, s0  }
0xc3: {  	[sflag:s0] =	ssyncadd.remote.s32 $0x1  }
0xc4: {  	_ =	sfence.sel $0xFFFF  }
0xc5: {  	[dreg:$0x0] =	wrdreg $0xFFFFFFFF;
	(pc) =	sbr.abs _section_cstart, $3  }
0xc6: {  	[dreg:$0x1] =	wrdreg $0xFFFFFFFF  }
0xc7: {  	_ =	task.clear_ibuf [dreg:s7], $0x2FFFF;
	_ =	strace $0x9FFFFFFF  }
0xc8: {  	(tm) =	ssettm $0x7FFFFFFF  }
0xc9: {  	_ =	shalt  }
tec
execute0_lowered:
.L_overlay_start_1:
0x0: {  	(tag) =	ssettag $0x1  }
0x1: {  	v0 =	vimm.s32 $0x2380;
	vm1 =	vcmask $0x300  }
0x2: {  	vm3 =	vcmask $0x704;
	vm5 =	vcmask $0xB08;
	vm6 =	vcmask $0xF0C  }
0x3: {  	vm7 =	vcmask $0x1310;
	vm8 =	vcmask $0x1714;
	vm4 =	vcmask $0x1B18  }
0x4: {  	vm2 =	vcmask $0x1F1C;
	v2 =	vimm.s32 $0x6380;
	v3 =	vimm.s32 $0xA380  }
0x5: {  	vm0 =	vcmask $0x2320;
	vm10 =	vcmask $0x2724;
	vm11 =	vcmask $0x2B28  }
0x6: {  	vm12 =	vcmask $0x2F2C;
	vm13 =	vcmask $0x3330;
	vm14 =	vcmask $0x3734  }
0x7: {  	vm15 =	vcmask $0x3B38;
	v0 =	vsel vm1, $0x0, v0;
	v2 =	vsel vm1, $0x4000, v2  }
0x8: {  	v3 =	vsel vm1, $0x8000, v3;
	v0 =	vsel vm3, $0x80, v0;
	v2 =	vsel vm3, $0x4080, v2  }
0x9: {  	v3 =	vsel vm3, $0x8080, v3;
	v0 =	vsel vm5, $0x100, v0;
	v2 =	vsel vm5, $0x4100, v2  }
0xa: {  	v3 =	vsel vm5, $0x8100, v3;
	v0 =	vsel vm6, $0x180, v0;
	v2 =	vsel vm6, $0x4180, v2  }
0xb: {  	v3 =	vsel vm6, $0x8180, v3;
	v0 =	vsel vm7, $0x200, v0;
	v2 =	vsel vm7, $0x4200, v2  }
0xc: {  	s1 =	srdreg.scid;
	s3 =	rddreg [dreg:$0x0];
	v3 =	vsel vm7, $0x8200, v3;
	v1 =	vsel vm8, $0x280, v0;
	v0 =	vimm.f32 $0.0e+00  }
0xd: {  	s0 =	stileid.u32;
	s5 =	rddreg [dreg:$0x1];
	v2 =	vsel vm8, $0x4280, v2;
	v3 =	vsel vm8, $0x8280, v3;
	v1 =	vsel vm4, $0x300, v1  }
0xe: {  	s2 =	simm.s32 $0x0;
	s4 =	sand.u32 $0x1, s1;
	s29 =	sshll.u32 s0, $0x1;
	v2 =	vsel vm4, $0x4300, v2;
	v3 =	vsel vm4, $0x8300, v3;
	v1 =	vsel vm2, $0x380, v1  }
0xf: {  	s11 =	simm.s32 $0x1;
	s12 =	simm.s32 $0x180;
	s6 =	sor.u32 s4, s29;
	v2 =	vsel vm2, $0x4380, v2;
	v3 =	vsel vm2, $0x8380, v3;
	v1 =	vsel vm0, $0x2000, v1  }
0x10: {  	s13 =	simm.s32 $0x0;
	s1 =	rddreg [dreg:$0x2];
	s7 =	smul.u32 $0x24, s6;
	v2 =	vsel vm0, $0x6000, v2;
	v3 =	vsel vm0, $0xA000, v3;
	v1 =	vsel vm10, $0x2080, v1  }
0x11: {  	[smem:$0x7FF] =	sst s2;
	s4 =	ssub.s32 $0x2, s4;
	s8 =	smul.u32 $0x48000, s6;
	v2 =	vsel vm10, $0x6080, v2;
	v3 =	vsel vm10, $0xA080, v3;
	v1 =	vsel vm11, $0x2100, v1  }
0x12: {  	_ =	strace $0x80000047;
	s9 =	sshrl.u32 s4, $0x1;
	s6 =	smul.u32 $0x9000, s6;
	v2 =	vsel vm11, $0x6100, v2;
	v3 =	vsel vm11, $0xA100, v3;
	v1 =	vsel vm12, $0x2180, v1  }
0x13: {  	s10 =	ssub.s32 s4, s9;
	s3 =	sadd.s32 s7, s3;
	s30 =	sshrl.u32 s8, $0x3;
	v2 =	vsel vm12, $0x6180, v2;
	v3 =	vsel vm12, $0xA180, v3;
	v1 =	vsel vm13, $0x2200, v1  }
0x14: {  	s4 =	sadd.s32 s5, s6;
	s10 =	smax.u32 s10, $0x1;
	s31 =	sadd.s32 s5, s30;
	v2 =	vsel vm13, $0x6200, v2;
	v3 =	vsel vm13, $0xA200, v3;
	v1 =	vsel vm14, $0x2280, v1  }
0x15: {  	s3 =	sadd.s32 $0x600, s3;
	s5 =	sadd.s32 $0x1800, s31;
	s6 =	sadd.s32 $0x3000, s31;
	v4 =	vsel vm14, $0x6280, v2;
	v5 =	vsel vm14, $0xA280, v3;
	v2 =	vimm.f32 $1.000000000e+00  }
0x16: {  	s7 =	sadd.s32 $0x4800, s31;
	s8 =	sadd.s32 $0x6000, s31;
	s9 =	sadd.s32 $0x7800, s31;
	v1 =	vsel vm15, $0x2300, v1;
	v3 =	vsel vm15, $0x6300, v4;
	v4 =	vsel vm15, $0xA300, v5  }
.LBB2_1:
0x17: {  	[tilespmem:s2], [sflag:$0x1] =	stream.linear.gather [hbm4b:s3+s2], $0x120, $0x38;
	[tilespmem:$0xC180] =	vst v63  }
0x18: {  	_ =	swait.ge [sflag:s11], $0x120  }
0x19: {  	s14 =	simm.s32 $0xFFFF4000;
	s15 =	simm.s32 $0x0;
	[sflag:s11] =	ssyncset.done $0x0  }
0x1a: {  	s16 =	simm.s32 $0x0;
	s17 =	simm.s32 $0x0;
	[sflag:s11] =	ssyncadd.s32 $0xFFFFFEE0  }
.LBB2_2:
0x1b: {  	s18 =	sadd.s32 $0xC000, s14  }
0x1c: {  	s19 =	sand.u32 $0x380, s17;
	s18 =	sand.u32 $0xE000, s18  }
0x1d: {  	s18 =	sor.u32 s19, s18  }
0x1e: {  	[tilespmem:s18+$0x180] =	vst v0  }
0x1f: {  	[tilespmem:s18+$0x190] =	vst v0  }
0x20: {  	[tilespmem:s18+$0x1A0] =	vst v0  }
0x21: {  	[tilespmem:s18+$0x1B0] =	vst v0  }
0x22: {  	[tilespmem:s18+$0x1C0] =	vst v0  }
0x23: {  	[tilespmem:s18+$0x1D0] =	vst v0  }
0x24: {  	[tilespmem:s18+$0x1E0] =	vst v0  }
0x25: {  	[tilespmem:s18+$0x1F0] =	vst v0  }
0x26: {  	[tilespmem:s18+$0x580] =	vst v0  }
0x27: {  	[tilespmem:s18+$0x590] =	vst v0  }
0x28: {  	[tilespmem:s18+$0x5A0] =	vst v0  }
0x29: {  	[tilespmem:s18+$0x5B0] =	vst v0  }
0x2a: {  	[tilespmem:s18+$0x5C0] =	vst v0  }
0x2b: {  	[tilespmem:s18+$0x5D0] =	vst v0  }
0x2c: {  	[tilespmem:s18+$0x5E0] =	vst v0  }
0x2d: {  	[tilespmem:s18+$0x5F0] =	vst v0  }
0x2e: {  	[tilespmem:s18+$0x980] =	vst v0  }
0x2f: {  	[tilespmem:s18+$0x990] =	vst v0  }
0x30: {  	[tilespmem:s18+$0x9A0] =	vst v0  }
0x31: {  	[tilespmem:s18+$0x9B0] =	vst v0  }
0x32: {  	[tilespmem:s18+$0x9C0] =	vst v0  }
0x33: {  	[tilespmem:s18+$0x9D0] =	vst v0  }
0x34: {  	[tilespmem:s18+$0x9E0] =	vst v0  }
0x35: {  	[tilespmem:s18+$0x9F0] =	vst v0  }
0x36: {  	[tilespmem:s18+$0xD80] =	vst v0  }
0x37: {  	[tilespmem:s18+$0xD90] =	vst v0  }
0x38: {  	[tilespmem:s18+$0xDA0] =	vst v0  }
0x39: {  	[tilespmem:s18+$0xDB0] =	vst v0  }
0x3a: {  	[tilespmem:s18+$0xDC0] =	vst v0  }
0x3b: {  	[tilespmem:s18+$0xDD0] =	vst v0  }
0x3c: {  	[tilespmem:s18+$0xDE0] =	vst v0  }
0x3d: {  	[tilespmem:s18+$0xDF0] =	vst v0  }
0x3e: {  	[tilespmem:s18+$0x1180] =	vst v0  }
0x3f: {  	[tilespmem:s18+$0x1190] =	vst v0  }
0x40: {  	[tilespmem:s18+$0x11A0] =	vst v0  }
0x41: {  	[tilespmem:s18+$0x11B0] =	vst v0  }
0x42: {  	[tilespmem:s18+$0x11C0] =	vst v0  }
0x43: {  	[tilespmem:s18+$0x11D0] =	vst v0  }
0x44: {  	[tilespmem:s18+$0x11E0] =	vst v0  }
0x45: {  	[tilespmem:s18+$0x11F0] =	vst v0  }
0x46: {  	[tilespmem:s18+$0x1580] =	vst v0  }
0x47: {  	[tilespmem:s18+$0x1590] =	vst v0  }
0x48: {  	[tilespmem:s18+$0x15A0] =	vst v0  }
0x49: {  	[tilespmem:s18+$0x15B0] =	vst v0  }
0x4a: {  	[tilespmem:s18+$0x15C0] =	vst v0  }
0x4b: {  	[tilespmem:s18+$0x15D0] =	vst v0  }
0x4c: {  	[tilespmem:s18+$0x15E0] =	vst v0  }
0x4d: {  	[tilespmem:s18+$0x15F0] =	vst v0  }
0x4e: {  	[tilespmem:s18+$0x1980] =	vst v0  }
0x4f: {  	[tilespmem:s18+$0x1990] =	vst v0  }
0x50: {  	[tilespmem:s18+$0x19A0] =	vst v0  }
0x51: {  	[tilespmem:s18+$0x19B0] =	vst v0  }
0x52: {  	s22 =	sand.u32 $0x7, s15;
	[tilespmem:s18+$0x19C0] =	vst v0  }
0x53: {  	s19 =	sshll.u32 s22, $0x7;
	[tilespmem:s18+$0x19D0] =	vst v0  }
0x54: {  	s19 =	sadd.s32 s19, s16;
	[tilespmem:s18+$0x19E0] =	vst v0  }
0x55: {  	[tilespmem:s18+$0x19F0] =	vst v0;
	s23 =	sor.u32 $0x1C00, s19  }
0x56: {  	s24 =	sor.u32 $0x1C10, s19;
	[tilespmem:s23+$0x180] =	vst v0  }
0x57: {  	s25 =	sor.u32 $0x1C20, s19;
	[tilespmem:s24+$0x180] =	vst v0  }
0x58: {  	p0 =	sne.s32 s17, $0x1780;
	s26 =	sor.u32 $0x1C30, s19;
	[tilespmem:s25+$0x180] =	vst v0  }
.Ltmp0:
0x59: {  	s28 =	sor.u32 $0x1C40, s19;
	[tilespmem:s26+$0x180] =	vst v0;
	(pc) =	sbr.rel @p0 .LBB2_2-.Ltmp0, $4  }
0x5a: {  	s29 =	sor.u32 $0x1C50, s19;
	[tilespmem:s28+$0x180] =	vst v0  }
0x5b: {  	s30 =	sor.u32 $0x1C60, s19;
	[tilespmem:s29+$0x180] =	vst v0  }
0x5c: {  	s15 =	sadd.s32 $0x1, s15;
	s31 =	sor.u32 $0x1C70, s19;
	[tilespmem:s30+$0x180] =	vst v0  }
0x5d: {  	s14 =	sadd.s32 $0x400, s14;
	s17 =	sadd.s32 $0x80, s17;
	s16 =	sadd.s32 $0x400, s16;
	[tilespmem:s31+$0x180] =	vst v0  }
0x5e: {  	v5 =	vld [tilespmem:$0x0];
	_ =	sdelay $0x4  }
0x5f: {  	v6 =	vshll.u32 v5, $0x3  }
0x60: {  	v5 =	vand.u32 $0x7F, v5;
	v6 =	vand.u32 $0xFFFFFC00, v6  }
0x61: {  	v5 =	vor.u32 v5, v6  }
0x62: {  	v5 =	vadd.s32 v1, v5;
	_ =	sdelay $0x4  }
0x63: {  	[tilespmem:v5+s12+$0x0] =	vst.idx.msk $0xffff, v2  }
0x64: {  	v5 =	vld [tilespmem:$0x10];
	_ =	sdelay $0x4  }
0x65: {  	v6 =	vshll.u32 v5, $0x3  }
0x66: {  	v5 =	vand.u32 $0x7F, v5;
	v6 =	vand.u32 $0xFFFFFC00, v6  }
0x67: {  	v5 =	vor.u32 v5, v6  }
0x68: {  	v5 =	vadd.s32 v3, v5;
	_ =	sdelay $0x4  }
0x69: {  	[tilespmem:v5+s12+$0x0] =	vst.idx.msk $0xffff, v2  }
0x6a: {  	v5 =	vld [tilespmem:$0x20];
	_ =	sdelay $0x4  }
0x6b: {  	v6 =	vshll.u32 v5, $0x3  }
0x6c: {  	v5 =	vand.u32 $0x7F, v5;
	v6 =	vand.u32 $0xFFFFFC00, v6  }
0x6d: {  	v5 =	vor.u32 v5, v6  }
0x6e: {  	v5 =	vadd.s32 v4, v5;
	_ =	sdelay $0x4  }
0x6f: {  	[tilespmem:v5+s12+$0x0] =	vst.idx.msk $0xffff, v2  }
0x70: {  	[hbm4b:s4+s2] =	stream.linear.scatter [tilespmem:s12], [sflag:$0x1], $0xC000, $0x38;
	[tilespmem:$0xC180] =	vst v63  }
0x71: {  	_ =	swait.ge [sflag:s11], $0xC000  }
0x72: {  	[sflag:s11] =	ssyncset.done $0x0  }
0x73: {  	[sflag:s11] =	ssyncadd.s32 $0xFFFF4000  }
0x74: {  	v5 =	vld [tilespmem:$0x0];
	_ =	sdelay $0x4  }
0x75: {  	v6 =	vshll.u32 v5, $0x3  }
0x76: {  	v5 =	vand.u32 $0x7F, v5;
	v6 =	vand.u32 $0xFFFFFC00, v6  }
0x77: {  	v5 =	vor.u32 v5, v6  }
0x78: {  	v5 =	vadd.s32 v1, v5;
	_ =	sdelay $0x4  }
0x79: {  	[tilespmem:v5+s12+$0x0] =	vst.idx.msk $0xffff, v0  }
0x7a: {  	v5 =	vld [tilespmem:$0x10];
	_ =	sdelay $0x4  }
0x7b: {  	v6 =	vshll.u32 v5, $0x3  }
0x7c: {  	v5 =	vand.u32 $0x7F, v5;
	v6 =	vand.u32 $0xFFFFFC00, v6  }
0x7d: {  	v5 =	vor.u32 v5, v6  }
0x7e: {  	v5 =	vadd.s32 v3, v5;
	_ =	sdelay $0x4  }
0x7f: {  	[tilespmem:v5+s12+$0x0] =	vst.idx.msk $0xffff, v0  }
0x80: {  	v5 =	vld [tilespmem:$0x20];
	_ =	sdelay $0x4  }
0x81: {  	v6 =	vshll.u32 v5, $0x3  }
0x82: {  	v5 =	vand.u32 $0x7F, v5;
	v6 =	vand.u32 $0xFFFFFC00, v6  }
0x83: {  	v5 =	vor.u32 v5, v6  }
0x84: {  	v5 =	vadd.s32 v4, v5;
	_ =	sdelay $0x4  }
0x85: {  	[tilespmem:v5+s12+$0x0] =	vst.idx.msk $0xffff, v0  }
0x86: {  	v5 =	vld [tilespmem:$0x30];
	_ =	sdelay $0x4  }
0x87: {  	v6 =	vshll.u32 v5, $0x3  }
0x88: {  	v5 =	vand.u32 $0x7F, v5;
	v6 =	vand.u32 $0xFFFFFC00, v6  }
0x89: {  	v5 =	vor.u32 v5, v6  }
0x8a: {  	v5 =	vadd.s32 v1, v5;
	_ =	sdelay $0x4  }
0x8b: {  	[tilespmem:v5+s12+$0x0] =	vst.idx.msk $0xffff, v2  }
0x8c: {  	v5 =	vld [tilespmem:$0x40];
	_ =	sdelay $0x4  }
0x8d: {  	v6 =	vshll.u32 v5, $0x3  }
0x8e: {  	v5 =	vand.u32 $0x7F, v5;
	v6 =	vand.u32 $0xFFFFFC00, v6  }
0x8f: {  	v5 =	vor.u32 v5, v6  }
0x90: {  	v5 =	vadd.s32 v3, v5;
	_ =	sdelay $0x4  }
0x91: {  	[tilespmem:v5+s12+$0x0] =	vst.idx.msk $0xffff, v2  }
0x92: {  	v5 =	vld [tilespmem:$0x50];
	_ =	sdelay $0x4  }
0x93: {  	v6 =	vshll.u32 v5, $0x3  }
0x94: {  	v5 =	vand.u32 $0x7F, v5;
	v6 =	vand.u32 $0xFFFFFC00, v6  }
0x95: {  	v5 =	vor.u32 v5, v6  }
0x96: {  	v5 =	vadd.s32 v4, v5;
	_ =	sdelay $0x4  }
0x97: {  	[tilespmem:v5+s12+$0x0] =	vst.idx.msk $0xffff, v2  }
0x98: {  	[hbm4b:s5+s2] =	stream.linear.scatter [tilespmem:s12], [sflag:$0x1], $0xC000, $0x38;
	[tilespmem:$0xC180] =	vst v63  }
0x99: {  	_ =	swait.ge [sflag:s11], $0xC000  }
0x9a: {  	[sflag:s11] =	ssyncset.done $0x0  }
0x9b: {  	[sflag:s11] =	ssyncadd.s32 $0xFFFF4000  }
0x9c: {  	v5 =	vld [tilespmem:$0x30];
	_ =	sdelay $0x4  }
0x9d: {  	v6 =	vshll.u32 v5, $0x3  }
0x9e: {  	v5 =	vand.u32 $0x7F, v5;
	v6 =	vand.u32 $0xFFFFFC00, v6  }
0x9f: {  	v5 =	vor.u32 v5, v6  }
0xa0: {  	v5 =	vadd.s32 v1, v5;
	_ =	sdelay $0x4  }
0xa1: {  	[tilespmem:v5+s12+$0x0] =	vst.idx.msk $0xffff, v0  }
0xa2: {  	v5 =	vld [tilespmem:$0x40];
	_ =	sdelay $0x4  }
0xa3: {  	v6 =	vshll.u32 v5, $0x3  }
0xa4: {  	v5 =	vand.u32 $0x7F, v5;
	v6 =	vand.u32 $0xFFFFFC00, v6  }
0xa5: {  	v5 =	vor.u32 v5, v6  }
0xa6: {  	v5 =	vadd.s32 v3, v5;
	_ =	sdelay $0x4  }
0xa7: {  	[tilespmem:v5+s12+$0x0] =	vst.idx.msk $0xffff, v0  }
0xa8: {  	v5 =	vld [tilespmem:$0x50];
	_ =	sdelay $0x4  }
0xa9: {  	v6 =	vshll.u32 v5, $0x3  }
0xaa: {  	v5 =	vand.u32 $0x7F, v5;
	v6 =	vand.u32 $0xFFFFFC00, v6  }
0xab: {  	v5 =	vor.u32 v5, v6  }
0xac: {  	v5 =	vadd.s32 v4, v5;
	_ =	sdelay $0x4  }
0xad: {  	[tilespmem:v5+s12+$0x0] =	vst.idx.msk $0xffff, v0  }
0xae: {  	v5 =	vld [tilespmem:$0x60];
	_ =	sdelay $0x4  }
0xaf: {  	v6 =	vshll.u32 v5, $0x3  }
0xb0: {  	v5 =	vand.u32 $0x7F, v5;
	v6 =	vand.u32 $0xFFFFFC00, v6  }
0xb1: {  	v5 =	vor.u32 v5, v6  }
0xb2: {  	v5 =	vadd.s32 v1, v5;
	_ =	sdelay $0x4  }
0xb3: {  	[tilespmem:v5+s12+$0x0] =	vst.idx.msk $0xffff, v2  }
0xb4: {  	v5 =	vld [tilespmem:$0x70];
	_ =	sdelay $0x4  }
0xb5: {  	v6 =	vshll.u32 v5, $0x3  }
0xb6: {  	v5 =	vand.u32 $0x7F, v5;
	v6 =	vand.u32 $0xFFFFFC00, v6  }
0xb7: {  	v5 =	vor.u32 v5, v6  }
0xb8: {  	v5 =	vadd.s32 v3, v5;
	_ =	sdelay $0x4  }
0xb9: {  	[tilespmem:v5+s12+$0x0] =	vst.idx.msk $0xffff, v2  }
0xba: {  	v5 =	vld [tilespmem:$0x80];
	_ =	sdelay $0x4  }
0xbb: {  	v6 =	vshll.u32 v5, $0x3  }
0xbc: {  	v5 =	vand.u32 $0x7F, v5;
	v6 =	vand.u32 $0xFFFFFC00, v6  }
0xbd: {  	v5 =	vor.u32 v5, v6  }
0xbe: {  	v5 =	vadd.s32 v4, v5;
	_ =	sdelay $0x4  }
0xbf: {  	[tilespmem:v5+s12+$0x0] =	vst.idx.msk $0xffff, v2  }
0xc0: {  	[hbm4b:s6+s2] =	stream.linear.scatter [tilespmem:s12], [sflag:$0x1], $0xC000, $0x38;
	[tilespmem:$0xC180] =	vst v63  }
0xc1: {  	_ =	swait.ge [sflag:s11], $0xC000  }
0xc2: {  	[sflag:s11] =	ssyncset.done $0x0  }
0xc3: {  	[sflag:s11] =	ssyncadd.s32 $0xFFFF4000  }
0xc4: {  	v5 =	vld [tilespmem:$0x60];
	_ =	sdelay $0x4  }
0xc5: {  	v6 =	vshll.u32 v5, $0x3  }
0xc6: {  	v5 =	vand.u32 $0x7F, v5;
	v6 =	vand.u32 $0xFFFFFC00, v6  }
0xc7: {  	v5 =	vor.u32 v5, v6  }
0xc8: {  	v5 =	vadd.s32 v1, v5;
	_ =	sdelay $0x4  }
0xc9: {  	[tilespmem:v5+s12+$0x0] =	vst.idx.msk $0xffff, v0  }
0xca: {  	v5 =	vld [tilespmem:$0x70];
	_ =	sdelay $0x4  }
0xcb: {  	v6 =	vshll.u32 v5, $0x3  }
0xcc: {  	v5 =	vand.u32 $0x7F, v5;
	v6 =	vand.u32 $0xFFFFFC00, v6  }
0xcd: {  	v5 =	vor.u32 v5, v6  }
0xce: {  	v5 =	vadd.s32 v3, v5;
	_ =	sdelay $0x4  }
0xcf: {  	[tilespmem:v5+s12+$0x0] =	vst.idx.msk $0xffff, v0  }
0xd0: {  	v5 =	vld [tilespmem:$0x80];
	_ =	sdelay $0x4  }
0xd1: {  	v6 =	vshll.u32 v5, $0x3  }
0xd2: {  	v5 =	vand.u32 $0x7F, v5;
	v6 =	vand.u32 $0xFFFFFC00, v6  }
0xd3: {  	v5 =	vor.u32 v5, v6  }
0xd4: {  	v5 =	vadd.s32 v4, v5;
	_ =	sdelay $0x4  }
0xd5: {  	[tilespmem:v5+s12+$0x0] =	vst.idx.msk $0xffff, v0  }
0xd6: {  	v5 =	vld [tilespmem:$0x90];
	_ =	sdelay $0x4  }
0xd7: {  	v6 =	vshll.u32 v5, $0x3  }
0xd8: {  	v5 =	vand.u32 $0x7F, v5;
	v6 =	vand.u32 $0xFFFFFC00, v6  }
0xd9: {  	v5 =	vor.u32 v5, v6  }
0xda: {  	v5 =	vadd.s32 v1, v5;
	_ =	sdelay $0x4  }
0xdb: {  	[tilespmem:v5+s12+$0x0] =	vst.idx.msk $0xffff, v2  }
0xdc: {  	v5 =	vld [tilespmem:$0xA0];
	_ =	sdelay $0x4  }
0xdd: {  	v6 =	vshll.u32 v5, $0x3  }
0xde: {  	v5 =	vand.u32 $0x7F, v5;
	v6 =	vand.u32 $0xFFFFFC00, v6  }
0xdf: {  	v5 =	vor.u32 v5, v6  }
0xe0: {  	v5 =	vadd.s32 v3, v5;
	_ =	sdelay $0x4  }
0xe1: {  	[tilespmem:v5+s12+$0x0] =	vst.idx.msk $0xffff, v2  }
0xe2: {  	v5 =	vld [tilespmem:$0xB0];
	_ =	sdelay $0x4  }
0xe3: {  	v6 =	vshll.u32 v5, $0x3  }
0xe4: {  	v5 =	vand.u32 $0x7F, v5;
	v6 =	vand.u32 $0xFFFFFC00, v6  }
0xe5: {  	v5 =	vor.u32 v5, v6  }
0xe6: {  	v5 =	vadd.s32 v4, v5;
	_ =	sdelay $0x4  }
0xe7: {  	[tilespmem:v5+s12+$0x0] =	vst.idx.msk $0xffff, v2  }
0xe8: {  	[hbm4b:s7+s2] =	stream.linear.scatter [tilespmem:s12], [sflag:$0x1], $0xC000, $0x38;
	[tilespmem:$0xC180] =	vst v63  }
0xe9: {  	_ =	swait.ge [sflag:s11], $0xC000  }
0xea: {  	[sflag:s11] =	ssyncset.done $0x0  }
0xeb: {  	[sflag:s11] =	ssyncadd.s32 $0xFFFF4000  }
0xec: {  	v5 =	vld [tilespmem:$0x90];
	_ =	sdelay $0x4  }
0xed: {  	v6 =	vshll.u32 v5, $0x3  }
0xee: {  	v5 =	vand.u32 $0x7F, v5;
	v6 =	vand.u32 $0xFFFFFC00, v6  }
0xef: {  	v5 =	vor.u32 v5, v6  }
0xf0: {  	v5 =	vadd.s32 v1, v5;
	_ =	sdelay $0x4  }
0xf1: {  	[tilespmem:v5+s12+$0x0] =	vst.idx.msk $0xffff, v0  }
0xf2: {  	v5 =	vld [tilespmem:$0xA0];
	_ =	sdelay $0x4  }
0xf3: {  	v6 =	vshll.u32 v5, $0x3  }
0xf4: {  	v5 =	vand.u32 $0x7F, v5;
	v6 =	vand.u32 $0xFFFFFC00, v6  }
0xf5: {  	v5 =	vor.u32 v5, v6  }
0xf6: {  	v5 =	vadd.s32 v3, v5;
	_ =	sdelay $0x4  }
0xf7: {  	[tilespmem:v5+s12+$0x0] =	vst.idx.msk $0xffff, v0  }
0xf8: {  	v5 =	vld [tilespmem:$0xB0];
	_ =	sdelay $0x4  }
0xf9: {  	v6 =	vshll.u32 v5, $0x3  }
0xfa: {  	v5 =	vand.u32 $0x7F, v5;
	v6 =	vand.u32 $0xFFFFFC00, v6  }
0xfb: {  	v5 =	vor.u32 v5, v6  }
0xfc: {  	v5 =	vadd.s32 v4, v5;
	_ =	sdelay $0x4  }
0xfd: {  	[tilespmem:v5+s12+$0x0] =	vst.idx.msk $0xffff, v0  }
0xfe: {  	v5 =	vld [tilespmem:$0xC0];
	_ =	sdelay $0x4  }
0xff: {  	v6 =	vshll.u32 v5, $0x3  }
0x100: {  	v5 =	vand.u32 $0x7F, v5;
	v6 =	vand.u32 $0xFFFFFC00, v6  }
0x101: {  	v5 =	vor.u32 v5, v6  }
0x102: {  	v5 =	vadd.s32 v1, v5;
	_ =	sdelay $0x4  }
0x103: {  	[tilespmem:v5+s12+$0x0] =	vst.idx.msk $0xffff, v2  }
0x104: {  	v5 =	vld [tilespmem:$0xD0];
	_ =	sdelay $0x4  }
0x105: {  	v6 =	vshll.u32 v5, $0x3  }
0x106: {  	v5 =	vand.u32 $0x7F, v5;
	v6 =	vand.u32 $0xFFFFFC00, v6  }
0x107: {  	v5 =	vor.u32 v5, v6  }
0x108: {  	v5 =	vadd.s32 v3, v5;
	_ =	sdelay $0x4  }
0x109: {  	[tilespmem:v5+s12+$0x0] =	vst.idx.msk $0xffff, v2  }
0x10a: {  	v5 =	vld [tilespmem:$0xE0];
	_ =	sdelay $0x4  }
0x10b: {  	v6 =	vshll.u32 v5, $0x3  }
0x10c: {  	v5 =	vand.u32 $0x7F, v5;
	v6 =	vand.u32 $0xFFFFFC00, v6  }
0x10d: {  	v5 =	vor.u32 v5, v6  }
0x10e: {  	v5 =	vadd.s32 v4, v5;
	_ =	sdelay $0x4  }
0x10f: {  	[tilespmem:v5+s12+$0x0] =	vst.idx.msk $0xffff, v2  }
0x110: {  	[hbm4b:s8+s2] =	stream.linear.scatter [tilespmem:s12], [sflag:$0x1], $0xC000, $0x38;
	[tilespmem:$0xC180] =	vst v63  }
0x111: {  	_ =	swait.ge [sflag:s11], $0xC000  }
0x112: {  	[sflag:s11] =	ssyncset.done $0x0  }
0x113: {  	[sflag:s11] =	ssyncadd.s32 $0xFFFF4000  }
0x114: {  	v5 =	vld [tilespmem:$0xC0];
	_ =	sdelay $0x4  }
0x115: {  	v6 =	vshll.u32 v5, $0x3  }
0x116: {  	v5 =	vand.u32 $0x7F, v5;
	v6 =	vand.u32 $0xFFFFFC00, v6  }
0x117: {  	v5 =	vor.u32 v5, v6  }
0x118: {  	v5 =	vadd.s32 v1, v5;
	_ =	sdelay $0x4  }
0x119: {  	[tilespmem:v5+s12+$0x0] =	vst.idx.msk $0xffff, v0  }
0x11a: {  	v5 =	vld [tilespmem:$0xD0];
	_ =	sdelay $0x4  }
0x11b: {  	v6 =	vshll.u32 v5, $0x3  }
0x11c: {  	v5 =	vand.u32 $0x7F, v5;
	v6 =	vand.u32 $0xFFFFFC00, v6  }
0x11d: {  	v5 =	vor.u32 v5, v6  }
0x11e: {  	v5 =	vadd.s32 v3, v5;
	_ =	sdelay $0x4  }
0x11f: {  	[tilespmem:v5+s12+$0x0] =	vst.idx.msk $0xffff, v0  }
0x120: {  	v5 =	vld [tilespmem:$0xE0];
	_ =	sdelay $0x4  }
0x121: {  	v6 =	vshll.u32 v5, $0x3  }
0x122: {  	v5 =	vand.u32 $0x7F, v5;
	v6 =	vand.u32 $0xFFFFFC00, v6  }
0x123: {  	v5 =	vor.u32 v5, v6  }
0x124: {  	v5 =	vadd.s32 v4, v5;
	_ =	sdelay $0x4  }
0x125: {  	[tilespmem:v5+s12+$0x0] =	vst.idx.msk $0xffff, v0  }
0x126: {  	v5 =	vld [tilespmem:$0xF0];
	_ =	sdelay $0x4  }
0x127: {  	v6 =	vshll.u32 v5, $0x3  }
0x128: {  	v5 =	vand.u32 $0x7F, v5;
	v6 =	vand.u32 $0xFFFFFC00, v6  }
0x129: {  	v5 =	vor.u32 v5, v6  }
0x12a: {  	v5 =	vadd.s32 v1, v5;
	_ =	sdelay $0x4  }
0x12b: {  	[tilespmem:v5+s12+$0x0] =	vst.idx.msk $0xffff, v2  }
0x12c: {  	v5 =	vld [tilespmem:$0x100];
	_ =	sdelay $0x4  }
0x12d: {  	v6 =	vshll.u32 v5, $0x3  }
0x12e: {  	v5 =	vand.u32 $0x7F, v5;
	v6 =	vand.u32 $0xFFFFFC00, v6  }
0x12f: {  	v5 =	vor.u32 v5, v6  }
0x130: {  	v5 =	vadd.s32 v3, v5;
	_ =	sdelay $0x4  }
0x131: {  	[tilespmem:v5+s12+$0x0] =	vst.idx.msk $0xffff, v2  }
0x132: {  	v5 =	vld [tilespmem:$0x110];
	_ =	sdelay $0x4  }
0x133: {  	v6 =	vshll.u32 v5, $0x3  }
0x134: {  	v5 =	vand.u32 $0x7F, v5;
	v6 =	vand.u32 $0xFFFFFC00, v6  }
0x135: {  	v5 =	vor.u32 v5, v6  }
0x136: {  	v5 =	vadd.s32 v4, v5;
	_ =	sdelay $0x4  }
0x137: {  	[tilespmem:v5+s12+$0x0] =	vst.idx.msk $0xffff, v2  }
0x138: {  	[hbm4b:s9+s2] =	stream.linear.scatter [tilespmem:s12], [sflag:$0x1], $0xC000, $0x38;
	[tilespmem:$0xC180] =	vst v63  }
0x139: {  	_ =	swait.ge [sflag:s11], $0xC000  }
0x13a: {  	[sflag:s11] =	ssyncset.done $0x0  }
0x13b: {  	[sflag:s11] =	ssyncadd.s32 $0xFFFF4000  }
0x13c: {  	v5 =	vld [tilespmem:$0xF0];
	_ =	sdelay $0x4  }
0x13d: {  	v6 =	vshll.u32 v5, $0x3  }
0x13e: {  	v5 =	vand.u32 $0x7F, v5;
	v6 =	vand.u32 $0xFFFFFC00, v6  }
0x13f: {  	v5 =	vor.u32 v5, v6  }
0x140: {  	v5 =	vadd.s32 v1, v5;
	_ =	sdelay $0x4  }
0x141: {  	[tilespmem:v5+s12+$0x0] =	vst.idx.msk $0xffff, v0  }
0x142: {  	v5 =	vld [tilespmem:$0x100];
	_ =	sdelay $0x4  }
0x143: {  	v6 =	vshll.u32 v5, $0x3  }
0x144: {  	v5 =	vand.u32 $0x7F, v5;
	v6 =	vand.u32 $0xFFFFFC00, v6  }
0x145: {  	v5 =	vor.u32 v5, v6  }
0x146: {  	v5 =	vadd.s32 v3, v5;
	_ =	sdelay $0x4  }
0x147: {  	[tilespmem:v5+s12+$0x0] =	vst.idx.msk $0xffff, v0  }
0x148: {  	v5 =	vld [tilespmem:$0x110];
	_ =	sdelay $0x4  }
0x149: {  	v6 =	vshll.u32 v5, $0x3  }
0x14a: {  	v5 =	vand.u32 $0x7F, v5;
	v6 =	vand.u32 $0xFFFFFC00, v6  }
0x14b: {  	s13 =	sadd.s32 $0x1, s13;
	v5 =	vor.u32 v5, v6  }
0x14c: {  	p0 =	sne.s32 s13, s10;
	v5 =	vadd.s32 v4, v5  }
.Ltmp1:
0x14d: {  	_ = 	snop;
	(pc) =	sbr.rel @p0 .LBB2_1-.Ltmp1, $2  }
0x14e: {  	_ =	sdelay $0x2  }
0x14f: {  	[tilespmem:v5+s12+$0x0] =	vst.idx.msk $0xffff, v0  }
0x150: {  	_ =	sfence.sel $0x180000  }
0x151: {  	[bflag:$0x0] =	sbarrier.arrive $0xFFFF  }
0x152: {  	p0 =	sne.s32 s0, $0x0;
	_ =	strace $0x90000047  }
0x153: {  	s0 =	sadd.s32 @!p0 $0x100000, s1;
	[bflag:$0x2] =	sbarrier.arrive $0xFFFF  }
0x154: {  	[sflag:s0] =	ssyncadd.tile.s32 @!p0 $0x1;
	_ =	shalt  }
.Lfunc_end2:
_tile_overlayer_lowered:
.L_overlay_start_2:
0x155: {  	(tag) =	ssettag $0x2  }
0x156: {  	s0 =	rddreg [dreg:$0x0];
	s2 =	stileid.u32  }
0x157: {  	s1 =	rddreg [dreg:$0x1];
	p0 =	sne.s32 s2, $0x0  }
0x158: {  	s3 =	rddreg [dreg:$0x2];
	[bflag:$0x3] =	sbarrier.arrive $0xFFFF;
	s2 =	simm.s32 @!p0 $0x1C01  }
0x159: {  	[timem:s3], [sflag:s2] =	dma.local @!p0 [hbm:s0], s1  }
0x15a: {  	s0 =	simm.s32 @!p0 $0x1  }
0x15b: {  	_ =	swait.ge @!p0 [sflag:s0], s1  }
0x15c: {  	s1 =	ssub.s32 @!p0 $0x0, s1;
	[sflag:s0] =	ssyncset.done @!p0 $0x0  }
0x15d: {  	[sflag:s0] =	ssyncadd.s32 @!p0 s1  }
0x15e: {  	[bflag:$0x3] =	sbarrier.arrive $0xFFFF  }
0x15f: {  	_ =	shalt  }

</sc_bundles>
